<compile_context>
chip_gen: v7x
topology: tpu7x:2x2x1
jax: 0.10.2.dev20260603
libtpu: 0.0.44.dev20260713+nightly
codegen_flags: <defaults>
</compile_context>

<pallas_src>
import functools

import jax
import jax.numpy as jnp
from jax import lax
from jax.experimental import pallas as pl
from jax.experimental.pallas import tpu as pltpu
from jax.experimental.pallas import tpu_sc as plsc

_K = 5
_T = 256
_NROWS = 256
_NC = 2
_NS = 16
_NW = _NC * _NS
_RPW = _NROWS // _NW
_RSTR = 272
_PAD = 8
_LANES = 16


def _round_bf16(v):
    u = plsc.bitcast(v, jnp.int32)
    lsb = jax.lax.shift_right_logical(u, 16) & 1
    u = (u + 0x7FFF + lsb) & jnp.int32(-65536)
    return plsc.bitcast(u, jnp.float32)


def _sc_body(x_hbm, wb_hbm, out_hbm, xall_v, xr_v, out_v, wb_v):
    wid = lax.axis_index("s") * _NC + lax.axis_index("c")
    base = wid * (_RPW * _T)
    pltpu.sync_copy(wb_hbm, wb_v)
    pltpu.sync_copy(x_hbm.at[pl.ds(base, _RPW * _T)], xall_v)
    iota = lax.iota(jnp.int32, _LANES)
    iotaf = iota.astype(jnp.float32)
    wv = [[_round_bf16(
        plsc.load_gather(wb_v, [jnp.full((_LANES,), 1 + k * _K + j, jnp.int32)]))
           for j in range(_K)] for k in range(_K)]
    bv = [plsc.load_gather(wb_v, [jnp.full((_LANES,), 26 + k, jnp.int32)])
          for k in range(_K)]
    zeros = jnp.zeros((_LANES,), jnp.float32)

    for r in range(_RPW):
        xr_v[pl.ds(r * _RSTR, _LANES)] = zeros
        xr_v[pl.ds(r * _RSTR + _T, _LANES)] = zeros

    @plsc.parallel_loop(0, _RPW * (_T // _LANES), unroll=4)
    def _round(i):
        r = jax.lax.shift_right_logical(i, 4)
        i16 = (i & 15) * _LANES
        v = xall_v[pl.ds(r * _T + i16, _LANES)]
        xr_v[pl.ds(r * _RSTR + _PAD + i16, _LANES)] = _round_bf16(v)

    @plsc.parallel_loop(0, _RPW * (_T // _LANES), unroll=4)
    def _main(i):
        r = jax.lax.shift_right_logical(i, 4)
        t0 = (i & 15) * _LANES
        rbase = r * _T
        xrbase = r * _RSTR + _PAD
        tf = iotaf + t0.astype(jnp.float32)
        s = [xr_v[pl.ds(xrbase + t0 + (j - 2), _LANES)] for j in range(_K)]
        acc = zeros
        for k in range(_K):
            z = s[0] * wv[k][0]
            for j in range(1, _K):
                z = z + s[j] * wv[k][j]
            z = z + bv[k]
            zc = jnp.minimum(z, 20.0)
            e = jnp.exp(zc + zc)
            off = (e - 1.0) / (e + 1.0)
            pos = off * 5.0 + tf
            pos = pos + float(k - 2)
            pos = pos + 7.0
            il = pos.astype(jnp.int32)
            idx = ((il + 249) & 255) + rbase
            acc = acc + plsc.load_gather(xall_v, [idx])
        out_v[pl.ds(rbase + t0, _LANES)] = acc

    pltpu.sync_copy(out_v, out_hbm.at[pl.ds(base, _RPW * _T)])


@jax.jit
def kernel(x, W, b):
    B, F, C, T = x.shape
    x2 = x.reshape(B * C * T)
    wb = jnp.concatenate(
        [jnp.zeros((1,), jnp.float32), W.reshape(-1), b.reshape(-1),
         jnp.zeros((1,), jnp.float32)])
    mesh = plsc.VectorSubcoreMesh(core_axis_name="c", subcore_axis_name="s")
    run = functools.partial(
        pl.kernel,
        out_type=jax.ShapeDtypeStruct((B * C * T,), jnp.float32),
        scratch_types=[
            pltpu.VMEM((_RPW * _T,), jnp.float32),
            pltpu.VMEM((_RPW * _RSTR,), jnp.float32),
            pltpu.VMEM((_RPW * _T,), jnp.float32),
            pltpu.VMEM((32,), jnp.float32),
        ],
        mesh=mesh,
        compiler_params=pltpu.CompilerParams(
            needs_layout_passes=False, use_tc_tiling_on_sc=False),
    )(_sc_body)
    out = run(x2, wb)
    return out.reshape(B, 1, C, T)

# --- scband reference (transcript-rebuilt; emitter-appended) ---
"""Pipeline reference for scband-eeg-deformer-44092134261231 (READ-ONLY COPY).

The authoritative reference and input builder live on the scoring server;
editing this copy changes nothing except your own understanding.
"""

import jax, jax.numpy as jnp
import numpy as np

K = 5   # time_convolution_length
OFF = 5  # offset_length


def setup_inputs(seed: int = 0) -> dict:
    key = jax.random.key(seed)
    k1, k2, k3 = jax.random.split(key, 3)
    x = jax.random.normal(k1, (8, 1, 32, 256), dtype=jnp.float32)
    # Conv2d(in=1, out=K, kernel=(1,K)) weight and bias
    W = jax.random.normal(k2, (K, 1, 1, K), dtype=jnp.float32) * 0.2
    b = jax.random.normal(k3, (K,), dtype=jnp.float32) * 0.1
    return {"x": x, "W": W, "b": b}


def reference(x, W, b):
    B, F, C, T = x.shape
    # padding_zero: pad time dim with K//2 left, (K-1)//2 right zeros
    xp = jnp.pad(x, ((0, 0), (0, 0), (0, 0), (K // 2, (K - 1) // 2)))
    # offset_conv + tanh -> (B, K, C, T)
    conv = jax.lax.conv_general_dilated(
        xp, W, window_strides=(1, 1), padding='VALID',
        dimension_numbers=('NCHW', 'OIHW', 'NCHW'))
    conv = conv + b.reshape(1, -1, 1, 1)
    offset_step = jnp.tanh(conv)
    # permute to (B, C, T, K)
    off_t = jnp.transpose(offset_step, (0, 2, 3, 1))
    # get_convolution_position
    pos_n = jnp.arange(-(K // 2), (K + 1) // 2, dtype=jnp.float32).reshape(1, 1, 1, -1)
    pos_0 = jnp.arange(T, dtype=jnp.float32).reshape(1, 1, -1, 1)
    pos = off_t * OFF + pos_0 + pos_n
    # padding_tail_and_head: cat(tail, x, head) along time
    head = x[:, :, :, : K // 2 + OFF]
    tail = x[:, :, :, T - ((K - 1) // 2 + OFF):T]
    x_new = jnp.concatenate([tail, x, head], axis=3)[:, 0]  # (B, C, T+2*OFF+K-1)
    # shift into padded coordinates
    pos = pos + (K // 2 + OFF)
    # linear-interp bookkeeping (floor of detached position, as in torch)
    left = jnp.floor(jax.lax.stop_gradient(pos))
    right = left + 1.0
    left_ratio = pos - left
    right_ratio = right - pos
    il = left.astype(jnp.int32)
    bi = jnp.arange(B).reshape(-1, 1, 1, 1)
    ci = jnp.arange(C).reshape(1, -1, 1, 1)
    # torch builds these values via .item() into a fresh tensor -> constants w.r.t. x
    left_num = jax.lax.stop_gradient(x_new[bi, ci, il])
    # NOTE: original torch code assigns offset_right_num = tensor(offset_left_num_0),
    # so right_num == left_num (faithful reproduction of the source).
    right_num = left_num
    out = left_ratio * left_num + right_ratio * right_num  # (B, C, T, K)
    out = jnp.sum(out, axis=3)[:, :, :, None]  # (B, C, T, 1)
    out = jnp.transpose(out, (0, 3, 1, 2))  # (B, 1, C, T)
    return out

if __name__ == "__main__":
    import jax
    _d = setup_inputs()
    print(jax.jit(kernel)(*tuple(_d.values())))

</pallas_src>

<mosaic_0001>
#map = affine_map<(d0, d1) -> (0)>
module attributes {stable_mosaic.version = 14 : i64} {
  func.func @_sc_body(%arg0: i32, %arg1: i32, %arg2: memref<65536xf32, #tpu.memory_space<hbm>>, %arg3: memref<32xf32, #tpu.memory_space<hbm>>, %arg4: memref<65536xf32, #tpu.memory_space<hbm>>, %arg5: memref<2048xf32, #tpu.memory_space<vmem>>, %arg6: memref<2176xf32, #tpu.memory_space<vmem>>, %arg7: memref<2048xf32, #tpu.memory_space<vmem>>, %arg8: memref<32xf32, #tpu.memory_space<vmem>>) attributes {dimension_semantics = [#tpu.dimension_semantics<core_parallel>, #tpu.dimension_semantics<subcore_parallel>], iteration_bounds = array<i64: 2, 16>, scalar_prefetch = 0 : i64, scratch_operands = 4 : i64, tpu.core_type = #tpu.core_type<sc_vector_subcore>, window_params = [{transform_indices = #map}, {transform_indices = #map}, {transform_indices = #map}]} {
    %mul3A = arith.constant 2 : i32
    %mul3A_0 = arith.muli %arg1, %mul3A : i32
    %add3A = arith.addi %mul3A_0, %arg0 : i32
    %mul3A_1 = arith.constant 2048 : i32
    %mul3A_2 = arith.muli %add3A, %mul3A_1 : i32
    "tpu.region"() ({
      %run_scoped3A = tpu.sem_alloc : memref<!tpu.dma_semaphore, #tpu.memory_space<semaphore_mem>>
      tpu.enqueue_dma source(%arg3 : memref<32xf32, #tpu.memory_space<hbm>>) target(%arg8 : memref<32xf32, #tpu.memory_space<vmem>>) target_semaphore(%run_scoped3A : memref<!tpu.dma_semaphore, #tpu.memory_space<semaphore_mem>>)
      tpu.wait_dma2 semaphore(%run_scoped3A : memref<!tpu.dma_semaphore, #tpu.memory_space<semaphore_mem>>) src(%arg3 : memref<32xf32, #tpu.memory_space<hbm>>) dst(%arg8 : memref<32xf32, #tpu.memory_space<vmem>>)
      tpu.yield
    }) : () -> ()
    "tpu.region"() ({
      %run_scoped3A = tpu.sem_alloc : memref<!tpu.dma_semaphore, #tpu.memory_space<semaphore_mem>>
      %dma_start3A = tpu.memref_slice %arg2[%mul3A_2] : memref<65536xf32, #tpu.memory_space<hbm>> -> memref<2048xf32, #tpu.memory_space<hbm>>
      %dma_start3A_501 = tpu.memref_slice %arg2[%mul3A_2] : memref<65536xf32, #tpu.memory_space<hbm>> -> memref<2048xf32, #tpu.memory_space<hbm>>
      tpu.enqueue_dma source(%dma_start3A_501 : memref<2048xf32, #tpu.memory_space<hbm>>) target(%arg5 : memref<2048xf32, #tpu.memory_space<vmem>>) target_semaphore(%run_scoped3A : memref<!tpu.dma_semaphore, #tpu.memory_space<semaphore_mem>>)
      %dma_wait3A = tpu.memref_slice %arg2[%mul3A_2] : memref<65536xf32, #tpu.memory_space<hbm>> -> memref<2048xf32, #tpu.memory_space<hbm>>
      %dma_wait3A_502 = tpu.memref_slice %arg2[%mul3A_2] : memref<65536xf32, #tpu.memory_space<hbm>> -> memref<2048xf32, #tpu.memory_space<hbm>>
      tpu.wait_dma2 semaphore(%run_scoped3A : memref<!tpu.dma_semaphore, #tpu.memory_space<semaphore_mem>>) src(%dma_wait3A_502 : memref<2048xf32, #tpu.memory_space<hbm>>) dst(%arg5 : memref<2048xf32, #tpu.memory_space<vmem>>)
      tpu.yield
    }) : () -> ()
    %iota3A = tpu.iota {dimensions = array<i32: 0>} : vector<16xi32>
    %convert_element_type3A = arith.sitofp %iota3A : vector<16xi32> to vector<16xf32>
    %broadcast_in_dim3A = arith.constant 1 : i32
    %broadcast_in_dim3A_3 = vector.broadcast %broadcast_in_dim3A : i32 to vector<16xi32>
    %gather3A = tpu.vector_load_idx %arg8[%broadcast_in_dim3A_3] : memref<32xf32, #tpu.memory_space<vmem>>[vector<16xi32>], vector<16xf32>,
    %bitcast3A = vector.bitcast %gather3A : vector<16xf32> to vector<16xi32>
    %shift_right_logical3A = arith.constant 16 : i32
    %shift_right_logical3A_4 = vector.broadcast %shift_right_logical3A : i32 to vector<16xi32>
    %shift_right_logical3A_5 = arith.shrui %bitcast3A, %shift_right_logical3A_4 : vector<16xi32>
    %and3A = arith.constant 1 : i32
    %and3A_6 = vector.broadcast %and3A : i32 to vector<16xi32>
    %and3A_7 = arith.andi %shift_right_logical3A_5, %and3A_6 : vector<16xi32>
    %add3A_8 = arith.constant 32767 : i32
    %add3A_9 = vector.broadcast %add3A_8 : i32 to vector<16xi32>
    %add3A_10 = arith.addi %bitcast3A, %add3A_9 : vector<16xi32>
    %add3A_11 = arith.addi %add3A_10, %and3A_7 : vector<16xi32>
    %and3A_12 = arith.constant -65536 : i32
    %and3A_13 = vector.broadcast %and3A_12 : i32 to vector<16xi32>
    %and3A_14 = arith.andi %add3A_11, %and3A_13 : vector<16xi32>
    %bitcast3A_15 = vector.bitcast %and3A_14 : vector<16xi32> to vector<16xf32>
    %broadcast_in_dim3A_16 = arith.constant 2 : i32
    %broadcast_in_dim3A_17 = vector.broadcast %broadcast_in_dim3A_16 : i32 to vector<16xi32>
    %gather3A_18 = tpu.vector_load_idx %arg8[%broadcast_in_dim3A_17] : memref<32xf32, #tpu.memory_space<vmem>>[vector<16xi32>], vector<16xf32>,
    %bitcast3A_19 = vector.bitcast %gather3A_18 : vector<16xf32> to vector<16xi32>
    %shift_right_logical3A_20 = arith.constant 16 : i32
    %shift_right_logical3A_21 = vector.broadcast %shift_right_logical3A_20 : i32 to vector<16xi32>
    %shift_right_logical3A_22 = arith.shrui %bitcast3A_19, %shift_right_logical3A_21 : vector<16xi32>
    %and3A_23 = arith.constant 1 : i32
    %and3A_24 = vector.broadcast %and3A_23 : i32 to vector<16xi32>
    %and3A_25 = arith.andi %shift_right_logical3A_22, %and3A_24 : vector<16xi32>
    %add3A_26 = arith.constant 32767 : i32
    %add3A_27 = vector.broadcast %add3A_26 : i32 to vector<16xi32>
    %add3A_28 = arith.addi %bitcast3A_19, %add3A_27 : vector<16xi32>
    %add3A_29 = arith.addi %add3A_28, %and3A_25 : vector<16xi32>
    %and3A_30 = arith.constant -65536 : i32
    %and3A_31 = vector.broadcast %and3A_30 : i32 to vector<16xi32>
    %and3A_32 = arith.andi %add3A_29, %and3A_31 : vector<16xi32>
    %bitcast3A_33 = vector.bitcast %and3A_32 : vector<16xi32> to vector<16xf32>
    %broadcast_in_dim3A_34 = arith.constant 3 : i32
    %broadcast_in_dim3A_35 = vector.broadcast %broadcast_in_dim3A_34 : i32 to vector<16xi32>
    %gather3A_36 = tpu.vector_load_idx %arg8[%broadcast_in_dim3A_35] : memref<32xf32, #tpu.memory_space<vmem>>[vector<16xi32>], vector<16xf32>,
    %bitcast3A_37 = vector.bitcast %gather3A_36 : vector<16xf32> to vector<16xi32>
    %shift_right_logical3A_38 = arith.constant 16 : i32
    %shift_right_logical3A_39 = vector.broadcast %shift_right_logical3A_38 : i32 to vector<16xi32>
    %shift_right_logical3A_40 = arith.shrui %bitcast3A_37, %shift_right_logical3A_39 : vector<16xi32>
    %and3A_41 = arith.constant 1 : i32
    %and3A_42 = vector.broadcast %and3A_41 : i32 to vector<16xi32>
    %and3A_43 = arith.andi %shift_right_logical3A_40, %and3A_42 : vector<16xi32>
    %add3A_44 = arith.constant 32767 : i32
    %add3A_45 = vector.broadcast %add3A_44 : i32 to vector<16xi32>
    %add3A_46 = arith.addi %bitcast3A_37, %add3A_45 : vector<16xi32>
    %add3A_47 = arith.addi %add3A_46, %and3A_43 : vector<16xi32>
    %and3A_48 = arith.constant -65536 : i32
    %and3A_49 = vector.broadcast %and3A_48 : i32 to vector<16xi32>
    %and3A_50 = arith.andi %add3A_47, %and3A_49 : vector<16xi32>
    %bitcast3A_51 = vector.bitcast %and3A_50 : vector<16xi32> to vector<16xf32>
    %broadcast_in_dim3A_52 = arith.constant 4 : i32
    %broadcast_in_dim3A_53 = vector.broadcast %broadcast_in_dim3A_52 : i32 to vector<16xi32>
    %gather3A_54 = tpu.vector_load_idx %arg8[%broadcast_in_dim3A_53] : memref<32xf32, #tpu.memory_space<vmem>>[vector<16xi32>], vector<16xf32>,
    %bitcast3A_55 = vector.bitcast %gather3A_54 : vector<16xf32> to vector<16xi32>
    %shift_right_logical3A_56 = arith.constant 16 : i32
    %shift_right_logical3A_57 = vector.broadcast %shift_right_logical3A_56 : i32 to vector<16xi32>
    %shift_right_logical3A_58 = arith.shrui %bitcast3A_55, %shift_right_logical3A_57 : vector<16xi32>
    %and3A_59 = arith.constant 1 : i32
    %and3A_60 = vector.broadcast %and3A_59 : i32 to vector<16xi32>
    %and3A_61 = arith.andi %shift_right_logical3A_58, %and3A_60 : vector<16xi32>
    %add3A_62 = arith.constant 32767 : i32
    %add3A_63 = vector.broadcast %add3A_62 : i32 to vector<16xi32>
    %add3A_64 = arith.addi %bitcast3A_55, %add3A_63 : vector<16xi32>
    %add3A_65 = arith.addi %add3A_64, %and3A_61 : vector<16xi32>
    %and3A_66 = arith.constant -65536 : i32
    %and3A_67 = vector.broadcast %and3A_66 : i32 to vector<16xi32>
    %and3A_68 = arith.andi %add3A_65, %and3A_67 : vector<16xi32>
    %bitcast3A_69 = vector.bitcast %and3A_68 : vector<16xi32> to vector<16xf32>
    %broadcast_in_dim3A_70 = arith.constant 5 : i32
    %broadcast_in_dim3A_71 = vector.broadcast %broadcast_in_dim3A_70 : i32 to vector<16xi32>
    %gather3A_72 = tpu.vector_load_idx %arg8[%broadcast_in_dim3A_71] : memref<32xf32, #tpu.memory_space<vmem>>[vector<16xi32>], vector<16xf32>,
    %bitcast3A_73 = vector.bitcast %gather3A_72 : vector<16xf32> to vector<16xi32>
    %shift_right_logical3A_74 = arith.constant 16 : i32
    %shift_right_logical3A_75 = vector.broadcast %shift_right_logical3A_74 : i32 to vector<16xi32>
    %shift_right_logical3A_76 = arith.shrui %bitcast3A_73, %shift_right_logical3A_75 : vector<16xi32>
    %and3A_77 = arith.constant 1 : i32
    %and3A_78 = vector.broadcast %and3A_77 : i32 to vector<16xi32>
    %and3A_79 = arith.andi %shift_right_logical3A_76, %and3A_78 : vector<16xi32>
    %add3A_80 = arith.constant 32767 : i32
    %add3A_81 = vector.broadcast %add3A_80 : i32 to vector<16xi32>
    %add3A_82 = arith.addi %bitcast3A_73, %add3A_81 : vector<16xi32>
    %add3A_83 = arith.addi %add3A_82, %and3A_79 : vector<16xi32>
    %and3A_84 = arith.constant -65536 : i32
    %and3A_85 = vector.broadcast %and3A_84 : i32 to vector<16xi32>
    %and3A_86 = arith.andi %add3A_83, %and3A_85 : vector<16xi32>
    %bitcast3A_87 = vector.bitcast %and3A_86 : vector<16xi32> to vector<16xf32>
    %broadcast_in_dim3A_88 = arith.constant 6 : i32
    %broadcast_in_dim3A_89 = vector.broadcast %broadcast_in_dim3A_88 : i32 to vector<16xi32>
    %gather3A_90 = tpu.vector_load_idx %arg8[%broadcast_in_dim3A_89] : memref<32xf32, #tpu.memory_space<vmem>>[vector<16xi32>], vector<16xf32>,
    %bitcast3A_91 = vector.bitcast %gather3A_90 : vector<16xf32> to vector<16xi32>
    %shift_right_logical3A_92 = arith.constant 16 : i32
    %shift_right_logical3A_93 = vector.broadcast %shift_right_logical3A_92 : i32 to vector<16xi32>
    %shift_right_logical3A_94 = arith.shrui %bitcast3A_91, %shift_right_logical3A_93 : vector<16xi32>
    %and3A_95 = arith.constant 1 : i32
    %and3A_96 = vector.broadcast %and3A_95 : i32 to vector<16xi32>
    %and3A_97 = arith.andi %shift_right_logical3A_94, %and3A_96 : vector<16xi32>
    %add3A_98 = arith.constant 32767 : i32
    %add3A_99 = vector.broadcast %add3A_98 : i32 to vector<16xi32>
    %add3A_100 = arith.addi %bitcast3A_91, %add3A_99 : vector<16xi32>
    %add3A_101 = arith.addi %add3A_100, %and3A_97 : vector<16xi32>
    %and3A_102 = arith.constant -65536 : i32
    %and3A_103 = vector.broadcast %and3A_102 : i32 to vector<16xi32>
    %and3A_104 = arith.andi %add3A_101, %and3A_103 : vector<16xi32>
    %bitcast3A_105 = vector.bitcast %and3A_104 : vector<16xi32> to vector<16xf32>
    %broadcast_in_dim3A_106 = arith.constant 7 : i32
    %broadcast_in_dim3A_107 = vector.broadcast %broadcast_in_dim3A_106 : i32 to vector<16xi32>
    %gather3A_108 = tpu.vector_load_idx %arg8[%broadcast_in_dim3A_107] : memref<32xf32, #tpu.memory_space<vmem>>[vector<16xi32>], vector<16xf32>,
    %bitcast3A_109 = vector.bitcast %gather3A_108 : vector<16xf32> to vector<16xi32>
    %shift_right_logical3A_110 = arith.constant 16 : i32
    %shift_right_logical3A_111 = vector.broadcast %shift_right_logical3A_110 : i32 to vector<16xi32>
    %shift_right_logical3A_112 = arith.shrui %bitcast3A_109, %shift_right_logical3A_111 : vector<16xi32>
    %and3A_113 = arith.constant 1 : i32
    %and3A_114 = vector.broadcast %and3A_113 : i32 to vector<16xi32>
    %and3A_115 = arith.andi %shift_right_logical3A_112, %and3A_114 : vector<16xi32>
    %add3A_116 = arith.constant 32767 : i32
    %add3A_117 = vector.broadcast %add3A_116 : i32 to vector<16xi32>
    %add3A_118 = arith.addi %bitcast3A_109, %add3A_117 : vector<16xi32>
    %add3A_119 = arith.addi %add3A_118, %and3A_115 : vector<16xi32>
    %and3A_120 = arith.constant -65536 : i32
    %and3A_121 = vector.broadcast %and3A_120 : i32 to vector<16xi32>
    %and3A_122 = arith.andi %add3A_119, %and3A_121 : vector<16xi32>
    %bitcast3A_123 = vector.bitcast %and3A_122 : vector<16xi32> to vector<16xf32>
    %broadcast_in_dim3A_124 = arith.constant 8 : i32
    %broadcast_in_dim3A_125 = vector.broadcast %broadcast_in_dim3A_124 : i32 to vector<16xi32>
    %gather3A_126 = tpu.vector_load_idx %arg8[%broadcast_in_dim3A_125] : memref<32xf32, #tpu.memory_space<vmem>>[vector<16xi32>], vector<16xf32>,
    %bitcast3A_127 = vector.bitcast %gather3A_126 : vector<16xf32> to vector<16xi32>
    %shift_right_logical3A_128 = arith.constant 16 : i32
    %shift_right_logical3A_129 = vector.broadcast %shift_right_logical3A_128 : i32 to vector<16xi32>
    %shift_right_logical3A_130 = arith.shrui %bitcast3A_127, %shift_right_logical3A_129 : vector<16xi32>
    %and3A_131 = arith.constant 1 : i32
    %and3A_132 = vector.broadcast %and3A_131 : i32 to vector<16xi32>
    %and3A_133 = arith.andi %shift_right_logical3A_130, %and3A_132 : vector<16xi32>
    %add3A_134 = arith.constant 32767 : i32
    %add3A_135 = vector.broadcast %add3A_134 : i32 to vector<16xi32>
    %add3A_136 = arith.addi %bitcast3A_127, %add3A_135 : vector<16xi32>
    %add3A_137 = arith.addi %add3A_136, %and3A_133 : vector<16xi32>
    %and3A_138 = arith.constant -65536 : i32
    %and3A_139 = vector.broadcast %and3A_138 : i32 to vector<16xi32>
    %and3A_140 = arith.andi %add3A_137, %and3A_139 : vector<16xi32>
    %bitcast3A_141 = vector.bitcast %and3A_140 : vector<16xi32> to vector<16xf32>
    %broadcast_in_dim3A_142 = arith.constant 9 : i32
    %broadcast_in_dim3A_143 = vector.broadcast %broadcast_in_dim3A_142 : i32 to vector<16xi32>
    %gather3A_144 = tpu.vector_load_idx %arg8[%broadcast_in_dim3A_143] : memref<32xf32, #tpu.memory_space<vmem>>[vector<16xi32>], vector<16xf32>,
    %bitcast3A_145 = vector.bitcast %gather3A_144 : vector<16xf32> to vector<16xi32>
    %shift_right_logical3A_146 = arith.constant 16 : i32
    %shift_right_logical3A_147 = vector.broadcast %shift_right_logical3A_146 : i32 to vector<16xi32>
    %shift_right_logical3A_148 = arith.shrui %bitcast3A_145, %shift_right_logical3A_147 : vector<16xi32>
    %and3A_149 = arith.constant 1 : i32
    %and3A_150 = vector.broadcast %and3A_149 : i32 to vector<16xi32>
    %and3A_151 = arith.andi %shift_right_logical3A_148, %and3A_150 : vector<16xi32>
    %add3A_152 = arith.constant 32767 : i32
    %add3A_153 = vector.broadcast %add3A_152 : i32 to vector<16xi32>
    %add3A_154 = arith.addi %bitcast3A_145, %add3A_153 : vector<16xi32>
    %add3A_155 = arith.addi %add3A_154, %and3A_151 : vector<16xi32>
    %and3A_156 = arith.constant -65536 : i32
    %and3A_157 = vector.broadcast %and3A_156 : i32 to vector<16xi32>
    %and3A_158 = arith.andi %add3A_155, %and3A_157 : vector<16xi32>
    %bitcast3A_159 = vector.bitcast %and3A_158 : vector<16xi32> to vector<16xf32>
    %broadcast_in_dim3A_160 = arith.constant 10 : i32
    %broadcast_in_dim3A_161 = vector.broadcast %broadcast_in_dim3A_160 : i32 to vector<16xi32>
    %gather3A_162 = tpu.vector_load_idx %arg8[%broadcast_in_dim3A_161] : memref<32xf32, #tpu.memory_space<vmem>>[vector<16xi32>], vector<16xf32>,
    %bitcast3A_163 = vector.bitcast %gather3A_162 : vector<16xf32> to vector<16xi32>
    %shift_right_logical3A_164 = arith.constant 16 : i32
    %shift_right_logical3A_165 = vector.broadcast %shift_right_logical3A_164 : i32 to vector<16xi32>
    %shift_right_logical3A_166 = arith.shrui %bitcast3A_163, %shift_right_logical3A_165 : vector<16xi32>
    %and3A_167 = arith.constant 1 : i32
    %and3A_168 = vector.broadcast %and3A_167 : i32 to vector<16xi32>
    %and3A_169 = arith.andi %shift_right_logical3A_166, %and3A_168 : vector<16xi32>
    %add3A_170 = arith.constant 32767 : i32
    %add3A_171 = vector.broadcast %add3A_170 : i32 to vector<16xi32>
    %add3A_172 = arith.addi %bitcast3A_163, %add3A_171 : vector<16xi32>
    %add3A_173 = arith.addi %add3A_172, %and3A_169 : vector<16xi32>
    %and3A_174 = arith.constant -65536 : i32
    %and3A_175 = vector.broadcast %and3A_174 : i32 to vector<16xi32>
    %and3A_176 = arith.andi %add3A_173, %and3A_175 : vector<16xi32>
    %bitcast3A_177 = vector.bitcast %and3A_176 : vector<16xi32> to vector<16xf32>
    %broadcast_in_dim3A_178 = arith.constant 11 : i32
    %broadcast_in_dim3A_179 = vector.broadcast %broadcast_in_dim3A_178 : i32 to vector<16xi32>
    %gather3A_180 = tpu.vector_load_idx %arg8[%broadcast_in_dim3A_179] : memref<32xf32, #tpu.memory_space<vmem>>[vector<16xi32>], vector<16xf32>,
    %bitcast3A_181 = vector.bitcast %gather3A_180 : vector<16xf32> to vector<16xi32>
    %shift_right_logical3A_182 = arith.constant 16 : i32
    %shift_right_logical3A_183 = vector.broadcast %shift_right_logical3A_182 : i32 to vector<16xi32>
    %shift_right_logical3A_184 = arith.shrui %bitcast3A_181, %shift_right_logical3A_183 : vector<16xi32>
    %and3A_185 = arith.constant 1 : i32
    %and3A_186 = vector.broadcast %and3A_185 : i32 to vector<16xi32>
    %and3A_187 = arith.andi %shift_right_logical3A_184, %and3A_186 : vector<16xi32>
    %add3A_188 = arith.constant 32767 : i32
    %add3A_189 = vector.broadcast %add3A_188 : i32 to vector<16xi32>
    %add3A_190 = arith.addi %bitcast3A_181, %add3A_189 : vector<16xi32>
    %add3A_191 = arith.addi %add3A_190, %and3A_187 : vector<16xi32>
    %and3A_192 = arith.constant -65536 : i32
    %and3A_193 = vector.broadcast %and3A_192 : i32 to vector<16xi32>
    %and3A_194 = arith.andi %add3A_191, %and3A_193 : vector<16xi32>
    %bitcast3A_195 = vector.bitcast %and3A_194 : vector<16xi32> to vector<16xf32>
    %broadcast_in_dim3A_196 = arith.constant 12 : i32
    %broadcast_in_dim3A_197 = vector.broadcast %broadcast_in_dim3A_196 : i32 to vector<16xi32>
    %gather3A_198 = tpu.vector_load_idx %arg8[%broadcast_in_dim3A_197] : memref<32xf32, #tpu.memory_space<vmem>>[vector<16xi32>], vector<16xf32>,
    %bitcast3A_199 = vector.bitcast %gather3A_198 : vector<16xf32> to vector<16xi32>
    %shift_right_logical3A_200 = arith.constant 16 : i32
    %shift_right_logical3A_201 = vector.broadcast %shift_right_logical3A_200 : i32 to vector<16xi32>
    %shift_right_logical3A_202 = arith.shrui %bitcast3A_199, %shift_right_logical3A_201 : vector<16xi32>
    %and3A_203 = arith.constant 1 : i32
    %and3A_204 = vector.broadcast %and3A_203 : i32 to vector<16xi32>
    %and3A_205 = arith.andi %shift_right_logical3A_202, %and3A_204 : vector<16xi32>
    %add3A_206 = arith.constant 32767 : i32
    %add3A_207 = vector.broadcast %add3A_206 : i32 to vector<16xi32>
    %add3A_208 = arith.addi %bitcast3A_199, %add3A_207 : vector<16xi32>
    %add3A_209 = arith.addi %add3A_208, %and3A_205 : vector<16xi32>
    %and3A_210 = arith.constant -65536 : i32
    %and3A_211 = vector.broadcast %and3A_210 : i32 to vector<16xi32>
    %and3A_212 = arith.andi %add3A_209, %and3A_211 : vector<16xi32>
    %bitcast3A_213 = vector.bitcast %and3A_212 : vector<16xi32> to vector<16xf32>
    %broadcast_in_dim3A_214 = arith.constant 13 : i32
    %broadcast_in_dim3A_215 = vector.broadcast %broadcast_in_dim3A_214 : i32 to vector<16xi32>
    %gather3A_216 = tpu.vector_load_idx %arg8[%broadcast_in_dim3A_215] : memref<32xf32, #tpu.memory_space<vmem>>[vector<16xi32>], vector<16xf32>,
    %bitcast3A_217 = vector.bitcast %gather3A_216 : vector<16xf32> to vector<16xi32>
    %shift_right_logical3A_218 = arith.constant 16 : i32
    %shift_right_logical3A_219 = vector.broadcast %shift_right_logical3A_218 : i32 to vector<16xi32>
    %shift_right_logical3A_220 = arith.shrui %bitcast3A_217, %shift_right_logical3A_219 : vector<16xi32>
    %and3A_221 = arith.constant 1 : i32
    %and3A_222 = vector.broadcast %and3A_221 : i32 to vector<16xi32>
    %and3A_223 = arith.andi %shift_right_logical3A_220, %and3A_222 : vector<16xi32>
    %add3A_224 = arith.constant 32767 : i32
    %add3A_225 = vector.broadcast %add3A_224 : i32 to vector<16xi32>
    %add3A_226 = arith.addi %bitcast3A_217, %add3A_225 : vector<16xi32>
    %add3A_227 = arith.addi %add3A_226, %and3A_223 : vector<16xi32>
    %and3A_228 = arith.constant -65536 : i32
    %and3A_229 = vector.broadcast %and3A_228 : i32 to vector<16xi32>
    %and3A_230 = arith.andi %add3A_227, %and3A_229 : vector<16xi32>
    %bitcast3A_231 = vector.bitcast %and3A_230 : vector<16xi32> to vector<16xf32>
    %broadcast_in_dim3A_232 = arith.constant 14 : i32
    %broadcast_in_dim3A_233 = vector.broadcast %broadcast_in_dim3A_232 : i32 to vector<16xi32>
    %gather3A_234 = tpu.vector_load_idx %arg8[%broadcast_in_dim3A_233] : memref<32xf32, #tpu.memory_space<vmem>>[vector<16xi32>], vector<16xf32>,
    %bitcast3A_235 = vector.bitcast %gather3A_234 : vector<16xf32> to vector<16xi32>
    %shift_right_logical3A_236 = arith.constant 16 : i32
    %shift_right_logical3A_237 = vector.broadcast %shift_right_logical3A_236 : i32 to vector<16xi32>
    %shift_right_logical3A_238 = arith.shrui %bitcast3A_235, %shift_right_logical3A_237 : vector<16xi32>
    %and3A_239 = arith.constant 1 : i32
    %and3A_240 = vector.broadcast %and3A_239 : i32 to vector<16xi32>
    %and3A_241 = arith.andi %shift_right_logical3A_238, %and3A_240 : vector<16xi32>
    %add3A_242 = arith.constant 32767 : i32
    %add3A_243 = vector.broadcast %add3A_242 : i32 to vector<16xi32>
    %add3A_244 = arith.addi %bitcast3A_235, %add3A_243 : vector<16xi32>
    %add3A_245 = arith.addi %add3A_244, %and3A_241 : vector<16xi32>
    %and3A_246 = arith.constant -65536 : i32
    %and3A_247 = vector.broadcast %and3A_246 : i32 to vector<16xi32>
    %and3A_248 = arith.andi %add3A_245, %and3A_247 : vector<16xi32>
    %bitcast3A_249 = vector.bitcast %and3A_248 : vector<16xi32> to vector<16xf32>
    %broadcast_in_dim3A_250 = arith.constant 15 : i32
    %broadcast_in_dim3A_251 = vector.broadcast %broadcast_in_dim3A_250 : i32 to vector<16xi32>
    %gather3A_252 = tpu.vector_load_idx %arg8[%broadcast_in_dim3A_251] : memref<32xf32, #tpu.memory_space<vmem>>[vector<16xi32>], vector<16xf32>,
    %bitcast3A_253 = vector.bitcast %gather3A_252 : vector<16xf32> to vector<16xi32>
    %shift_right_logical3A_254 = arith.constant 16 : i32
    %shift_right_logical3A_255 = vector.broadcast %shift_right_logical3A_254 : i32 to vector<16xi32>
    %shift_right_logical3A_256 = arith.shrui %bitcast3A_253, %shift_right_logical3A_255 : vector<16xi32>
    %and3A_257 = arith.constant 1 : i32
    %and3A_258 = vector.broadcast %and3A_257 : i32 to vector<16xi32>
    %and3A_259 = arith.andi %shift_right_logical3A_256, %and3A_258 : vector<16xi32>
    %add3A_260 = arith.constant 32767 : i32
    %add3A_261 = vector.broadcast %add3A_260 : i32 to vector<16xi32>
    %add3A_262 = arith.addi %bitcast3A_253, %add3A_261 : vector<16xi32>
    %add3A_263 = arith.addi %add3A_262, %and3A_259 : vector<16xi32>
    %and3A_264 = arith.constant -65536 : i32
    %and3A_265 = vector.broadcast %and3A_264 : i32 to vector<16xi32>
    %and3A_266 = arith.andi %add3A_263, %and3A_265 : vector<16xi32>
    %bitcast3A_267 = vector.bitcast %and3A_266 : vector<16xi32> to vector<16xf32>
    %broadcast_in_dim3A_268 = arith.constant 16 : i32
    %broadcast_in_dim3A_269 = vector.broadcast %broadcast_in_dim3A_268 : i32 to vector<16xi32>
    %gather3A_270 = tpu.vector_load_idx %arg8[%broadcast_in_dim3A_269] : memref<32xf32, #tpu.memory_space<vmem>>[vector<16xi32>], vector<16xf32>,
    %bitcast3A_271 = vector.bitcast %gather3A_270 : vector<16xf32> to vector<16xi32>
    %shift_right_logical3A_272 = arith.constant 16 : i32
    %shift_right_logical3A_273 = vector.broadcast %shift_right_logical3A_272 : i32 to vector<16xi32>
    %shift_right_logical3A_274 = arith.shrui %bitcast3A_271, %shift_right_logical3A_273 : vector<16xi32>
    %and3A_275 = arith.constant 1 : i32
    %and3A_276 = vector.broadcast %and3A_275 : i32 to vector<16xi32>
    %and3A_277 = arith.andi %shift_right_logical3A_274, %and3A_276 : vector<16xi32>
    %add3A_278 = arith.constant 32767 : i32
    %add3A_279 = vector.broadcast %add3A_278 : i32 to vector<16xi32>
    %add3A_280 = arith.addi %bitcast3A_271, %add3A_279 : vector<16xi32>
    %add3A_281 = arith.addi %add3A_280, %and3A_277 : vector<16xi32>
    %and3A_282 = arith.constant -65536 : i32
    %and3A_283 = vector.broadcast %and3A_282 : i32 to vector<16xi32>
    %and3A_284 = arith.andi %add3A_281, %and3A_283 : vector<16xi32>
    %bitcast3A_285 = vector.bitcast %and3A_284 : vector<16xi32> to vector<16xf32>
    %broadcast_in_dim3A_286 = arith.constant 17 : i32
    %broadcast_in_dim3A_287 = vector.broadcast %broadcast_in_dim3A_286 : i32 to vector<16xi32>
    %gather3A_288 = tpu.vector_load_idx %arg8[%broadcast_in_dim3A_287] : memref<32xf32, #tpu.memory_space<vmem>>[vector<16xi32>], vector<16xf32>,
    %bitcast3A_289 = vector.bitcast %gather3A_288 : vector<16xf32> to vector<16xi32>
    %shift_right_logical3A_290 = arith.constant 16 : i32
    %shift_right_logical3A_291 = vector.broadcast %shift_right_logical3A_290 : i32 to vector<16xi32>
    %shift_right_logical3A_292 = arith.shrui %bitcast3A_289, %shift_right_logical3A_291 : vector<16xi32>
    %and3A_293 = arith.constant 1 : i32
    %and3A_294 = vector.broadcast %and3A_293 : i32 to vector<16xi32>
    %and3A_295 = arith.andi %shift_right_logical3A_292, %and3A_294 : vector<16xi32>
    %add3A_296 = arith.constant 32767 : i32
    %add3A_297 = vector.broadcast %add3A_296 : i32 to vector<16xi32>
    %add3A_298 = arith.addi %bitcast3A_289, %add3A_297 : vector<16xi32>
    %add3A_299 = arith.addi %add3A_298, %and3A_295 : vector<16xi32>
    %and3A_300 = arith.constant -65536 : i32
    %and3A_301 = vector.broadcast %and3A_300 : i32 to vector<16xi32>
    %and3A_302 = arith.andi %add3A_299, %and3A_301 : vector<16xi32>
    %bitcast3A_303 = vector.bitcast %and3A_302 : vector<16xi32> to vector<16xf32>
    %broadcast_in_dim3A_304 = arith.constant 18 : i32
    %broadcast_in_dim3A_305 = vector.broadcast %broadcast_in_dim3A_304 : i32 to vector<16xi32>
    %gather3A_306 = tpu.vector_load_idx %arg8[%broadcast_in_dim3A_305] : memref<32xf32, #tpu.memory_space<vmem>>[vector<16xi32>], vector<16xf32>,
    %bitcast3A_307 = vector.bitcast %gather3A_306 : vector<16xf32> to vector<16xi32>
    %shift_right_logical3A_308 = arith.constant 16 : i32
    %shift_right_logical3A_309 = vector.broadcast %shift_right_logical3A_308 : i32 to vector<16xi32>
    %shift_right_logical3A_310 = arith.shrui %bitcast3A_307, %shift_right_logical3A_309 : vector<16xi32>
    %and3A_311 = arith.constant 1 : i32
    %and3A_312 = vector.broadcast %and3A_311 : i32 to vector<16xi32>
    %and3A_313 = arith.andi %shift_right_logical3A_310, %and3A_312 : vector<16xi32>
    %add3A_314 = arith.constant 32767 : i32
    %add3A_315 = vector.broadcast %add3A_314 : i32 to vector<16xi32>
    %add3A_316 = arith.addi %bitcast3A_307, %add3A_315 : vector<16xi32>
    %add3A_317 = arith.addi %add3A_316, %and3A_313 : vector<16xi32>
    %and3A_318 = arith.constant -65536 : i32
    %and3A_319 = vector.broadcast %and3A_318 : i32 to vector<16xi32>
    %and3A_320 = arith.andi %add3A_317, %and3A_319 : vector<16xi32>
    %bitcast3A_321 = vector.bitcast %and3A_320 : vector<16xi32> to vector<16xf32>
    %broadcast_in_dim3A_322 = arith.constant 19 : i32
    %broadcast_in_dim3A_323 = vector.broadcast %broadcast_in_dim3A_322 : i32 to vector<16xi32>
    %gather3A_324 = tpu.vector_load_idx %arg8[%broadcast_in_dim3A_323] : memref<32xf32, #tpu.memory_space<vmem>>[vector<16xi32>], vector<16xf32>,
    %bitcast3A_325 = vector.bitcast %gather3A_324 : vector<16xf32> to vector<16xi32>
    %shift_right_logical3A_326 = arith.constant 16 : i32
    %shift_right_logical3A_327 = vector.broadcast %shift_right_logical3A_326 : i32 to vector<16xi32>
    %shift_right_logical3A_328 = arith.shrui %bitcast3A_325, %shift_right_logical3A_327 : vector<16xi32>
    %and3A_329 = arith.constant 1 : i32
    %and3A_330 = vector.broadcast %and3A_329 : i32 to vector<16xi32>
    %and3A_331 = arith.andi %shift_right_logical3A_328, %and3A_330 : vector<16xi32>
    %add3A_332 = arith.constant 32767 : i32
    %add3A_333 = vector.broadcast %add3A_332 : i32 to vector<16xi32>
    %add3A_334 = arith.addi %bitcast3A_325, %add3A_333 : vector<16xi32>
    %add3A_335 = arith.addi %add3A_334, %and3A_331 : vector<16xi32>
    %and3A_336 = arith.constant -65536 : i32
    %and3A_337 = vector.broadcast %and3A_336 : i32 to vector<16xi32>
    %and3A_338 = arith.andi %add3A_335, %and3A_337 : vector<16xi32>
    %bitcast3A_339 = vector.bitcast %and3A_338 : vector<16xi32> to vector<16xf32>
    %broadcast_in_dim3A_340 = arith.constant 20 : i32
    %broadcast_in_dim3A_341 = vector.broadcast %broadcast_in_dim3A_340 : i32 to vector<16xi32>
    %gather3A_342 = tpu.vector_load_idx %arg8[%broadcast_in_dim3A_341] : memref<32xf32, #tpu.memory_space<vmem>>[vector<16xi32>], vector<16xf32>,
    %bitcast3A_343 = vector.bitcast %gather3A_342 : vector<16xf32> to vector<16xi32>
    %shift_right_logical3A_344 = arith.constant 16 : i32
    %shift_right_logical3A_345 = vector.broadcast %shift_right_logical3A_344 : i32 to vector<16xi32>
    %shift_right_logical3A_346 = arith.shrui %bitcast3A_343, %shift_right_logical3A_345 : vector<16xi32>
    %and3A_347 = arith.constant 1 : i32
    %and3A_348 = vector.broadcast %and3A_347 : i32 to vector<16xi32>
    %and3A_349 = arith.andi %shift_right_logical3A_346, %and3A_348 : vector<16xi32>
    %add3A_350 = arith.constant 32767 : i32
    %add3A_351 = vector.broadcast %add3A_350 : i32 to vector<16xi32>
    %add3A_352 = arith.addi %bitcast3A_343, %add3A_351 : vector<16xi32>
    %add3A_353 = arith.addi %add3A_352, %and3A_349 : vector<16xi32>
    %and3A_354 = arith.constant -65536 : i32
    %and3A_355 = vector.broadcast %and3A_354 : i32 to vector<16xi32>
    %and3A_356 = arith.andi %add3A_353, %and3A_355 : vector<16xi32>
    %bitcast3A_357 = vector.bitcast %and3A_356 : vector<16xi32> to vector<16xf32>
    %broadcast_in_dim3A_358 = arith.constant 21 : i32
    %broadcast_in_dim3A_359 = vector.broadcast %broadcast_in_dim3A_358 : i32 to vector<16xi32>
    %gather3A_360 = tpu.vector_load_idx %arg8[%broadcast_in_dim3A_359] : memref<32xf32, #tpu.memory_space<vmem>>[vector<16xi32>], vector<16xf32>,
    %bitcast3A_361 = vector.bitcast %gather3A_360 : vector<16xf32> to vector<16xi32>
    %shift_right_logical3A_362 = arith.constant 16 : i32
    %shift_right_logical3A_363 = vector.broadcast %shift_right_logical3A_362 : i32 to vector<16xi32>
    %shift_right_logical3A_364 = arith.shrui %bitcast3A_361, %shift_right_logical3A_363 : vector<16xi32>
    %and3A_365 = arith.constant 1 : i32
    %and3A_366 = vector.broadcast %and3A_365 : i32 to vector<16xi32>
    %and3A_367 = arith.andi %shift_right_logical3A_364, %and3A_366 : vector<16xi32>
    %add3A_368 = arith.constant 32767 : i32
    %add3A_369 = vector.broadcast %add3A_368 : i32 to vector<16xi32>
    %add3A_370 = arith.addi %bitcast3A_361, %add3A_369 : vector<16xi32>
    %add3A_371 = arith.addi %add3A_370, %and3A_367 : vector<16xi32>
    %and3A_372 = arith.constant -65536 : i32
    %and3A_373 = vector.broadcast %and3A_372 : i32 to vector<16xi32>
    %and3A_374 = arith.andi %add3A_371, %and3A_373 : vector<16xi32>
    %bitcast3A_375 = vector.bitcast %and3A_374 : vector<16xi32> to vector<16xf32>
    %broadcast_in_dim3A_376 = arith.constant 22 : i32
    %broadcast_in_dim3A_377 = vector.broadcast %broadcast_in_dim3A_376 : i32 to vector<16xi32>
    %gather3A_378 = tpu.vector_load_idx %arg8[%broadcast_in_dim3A_377] : memref<32xf32, #tpu.memory_space<vmem>>[vector<16xi32>], vector<16xf32>,
    %bitcast3A_379 = vector.bitcast %gather3A_378 : vector<16xf32> to vector<16xi32>
    %shift_right_logical3A_380 = arith.constant 16 : i32
    %shift_right_logical3A_381 = vector.broadcast %shift_right_logical3A_380 : i32 to vector<16xi32>
    %shift_right_logical3A_382 = arith.shrui %bitcast3A_379, %shift_right_logical3A_381 : vector<16xi32>
    %and3A_383 = arith.constant 1 : i32
    %and3A_384 = vector.broadcast %and3A_383 : i32 to vector<16xi32>
    %and3A_385 = arith.andi %shift_right_logical3A_382, %and3A_384 : vector<16xi32>
    %add3A_386 = arith.constant 32767 : i32
    %add3A_387 = vector.broadcast %add3A_386 : i32 to vector<16xi32>
    %add3A_388 = arith.addi %bitcast3A_379, %add3A_387 : vector<16xi32>
    %add3A_389 = arith.addi %add3A_388, %and3A_385 : vector<16xi32>
    %and3A_390 = arith.constant -65536 : i32
    %and3A_391 = vector.broadcast %and3A_390 : i32 to vector<16xi32>
    %and3A_392 = arith.andi %add3A_389, %and3A_391 : vector<16xi32>
    %bitcast3A_393 = vector.bitcast %and3A_392 : vector<16xi32> to vector<16xf32>
    %broadcast_in_dim3A_394 = arith.constant 23 : i32
    %broadcast_in_dim3A_395 = vector.broadcast %broadcast_in_dim3A_394 : i32 to vector<16xi32>
    %gather3A_396 = tpu.vector_load_idx %arg8[%broadcast_in_dim3A_395] : memref<32xf32, #tpu.memory_space<vmem>>[vector<16xi32>], vector<16xf32>,
    %bitcast3A_397 = vector.bitcast %gather3A_396 : vector<16xf32> to vector<16xi32>
    %shift_right_logical3A_398 = arith.constant 16 : i32
    %shift_right_logical3A_399 = vector.broadcast %shift_right_logical3A_398 : i32 to vector<16xi32>
    %shift_right_logical3A_400 = arith.shrui %bitcast3A_397, %shift_right_logical3A_399 : vector<16xi32>
    %and3A_401 = arith.constant 1 : i32
    %and3A_402 = vector.broadcast %and3A_401 : i32 to vector<16xi32>
    %and3A_403 = arith.andi %shift_right_logical3A_400, %and3A_402 : vector<16xi32>
    %add3A_404 = arith.constant 32767 : i32
    %add3A_405 = vector.broadcast %add3A_404 : i32 to vector<16xi32>
    %add3A_406 = arith.addi %bitcast3A_397, %add3A_405 : vector<16xi32>
    %add3A_407 = arith.addi %add3A_406, %and3A_403 : vector<16xi32>
    %and3A_408 = arith.constant -65536 : i32
    %and3A_409 = vector.broadcast %and3A_408 : i32 to vector<16xi32>
    %and3A_410 = arith.andi %add3A_407, %and3A_409 : vector<16xi32>
    %bitcast3A_411 = vector.bitcast %and3A_410 : vector<16xi32> to vector<16xf32>
    %broadcast_in_dim3A_412 = arith.constant 24 : i32
    %broadcast_in_dim3A_413 = vector.broadcast %broadcast_in_dim3A_412 : i32 to vector<16xi32>
    %gather3A_414 = tpu.vector_load_idx %arg8[%broadcast_in_dim3A_413] : memref<32xf32, #tpu.memory_space<vmem>>[vector<16xi32>], vector<16xf32>,
    %bitcast3A_415 = vector.bitcast %gather3A_414 : vector<16xf32> to vector<16xi32>
    %shift_right_logical3A_416 = arith.constant 16 : i32
    %shift_right_logical3A_417 = vector.broadcast %shift_right_logical3A_416 : i32 to vector<16xi32>
    %shift_right_logical3A_418 = arith.shrui %bitcast3A_415, %shift_right_logical3A_417 : vector<16xi32>
    %and3A_419 = arith.constant 1 : i32
    %and3A_420 = vector.broadcast %and3A_419 : i32 to vector<16xi32>
    %and3A_421 = arith.andi %shift_right_logical3A_418, %and3A_420 : vector<16xi32>
    %add3A_422 = arith.constant 32767 : i32
    %add3A_423 = vector.broadcast %add3A_422 : i32 to vector<16xi32>
    %add3A_424 = arith.addi %bitcast3A_415, %add3A_423 : vector<16xi32>
    %add3A_425 = arith.addi %add3A_424, %and3A_421 : vector<16xi32>
    %and3A_426 = arith.constant -65536 : i32
    %and3A_427 = vector.broadcast %and3A_426 : i32 to vector<16xi32>
    %and3A_428 = arith.andi %add3A_425, %and3A_427 : vector<16xi32>
    %bitcast3A_429 = vector.bitcast %and3A_428 : vector<16xi32> to vector<16xf32>
    %broadcast_in_dim3A_430 = arith.constant 25 : i32
    %broadcast_in_dim3A_431 = vector.broadcast %broadcast_in_dim3A_430 : i32 to vector<16xi32>
    %gather3A_432 = tpu.vector_load_idx %arg8[%broadcast_in_dim3A_431] : memref<32xf32, #tpu.memory_space<vmem>>[vector<16xi32>], vector<16xf32>,
    %bitcast3A_433 = vector.bitcast %gather3A_432 : vector<16xf32> to vector<16xi32>
    %shift_right_logical3A_434 = arith.constant 16 : i32
    %shift_right_logical3A_435 = vector.broadcast %shift_right_logical3A_434 : i32 to vector<16xi32>
    %shift_right_logical3A_436 = arith.shrui %bitcast3A_433, %shift_right_logical3A_435 : vector<16xi32>
    %and3A_437 = arith.constant 1 : i32
    %and3A_438 = vector.broadcast %and3A_437 : i32 to vector<16xi32>
    %and3A_439 = arith.andi %shift_right_logical3A_436, %and3A_438 : vector<16xi32>
    %add3A_440 = arith.constant 32767 : i32
    %add3A_441 = vector.broadcast %add3A_440 : i32 to vector<16xi32>
    %add3A_442 = arith.addi %bitcast3A_433, %add3A_441 : vector<16xi32>
    %add3A_443 = arith.addi %add3A_442, %and3A_439 : vector<16xi32>
    %and3A_444 = arith.constant -65536 : i32
    %and3A_445 = vector.broadcast %and3A_444 : i32 to vector<16xi32>
    %and3A_446 = arith.andi %add3A_443, %and3A_445 : vector<16xi32>
    %bitcast3A_447 = vector.bitcast %and3A_446 : vector<16xi32> to vector<16xf32>
    %broadcast_in_dim3A_448 = arith.constant 26 : i32
    %broadcast_in_dim3A_449 = vector.broadcast %broadcast_in_dim3A_448 : i32 to vector<16xi32>
    %gather3A_450 = tpu.vector_load_idx %arg8[%broadcast_in_dim3A_449] : memref<32xf32, #tpu.memory_space<vmem>>[vector<16xi32>], vector<16xf32>,
    %broadcast_in_dim3A_451 = arith.constant 27 : i32
    %broadcast_in_dim3A_452 = vector.broadcast %broadcast_in_dim3A_451 : i32 to vector<16xi32>
    %gather3A_453 = tpu.vector_load_idx %arg8[%broadcast_in_dim3A_452] : memref<32xf32, #tpu.memory_space<vmem>>[vector<16xi32>], vector<16xf32>,
    %broadcast_in_dim3A_454 = arith.constant 28 : i32
    %broadcast_in_dim3A_455 = vector.broadcast %broadcast_in_dim3A_454 : i32 to vector<16xi32>
    %gather3A_456 = tpu.vector_load_idx %arg8[%broadcast_in_dim3A_455] : memref<32xf32, #tpu.memory_space<vmem>>[vector<16xi32>], vector<16xf32>,
    %broadcast_in_dim3A_457 = arith.constant 29 : i32
    %broadcast_in_dim3A_458 = vector.broadcast %broadcast_in_dim3A_457 : i32 to vector<16xi32>
    %gather3A_459 = tpu.vector_load_idx %arg8[%broadcast_in_dim3A_458] : memref<32xf32, #tpu.memory_space<vmem>>[vector<16xi32>], vector<16xf32>,
    %broadcast_in_dim3A_460 = arith.constant 30 : i32
    %broadcast_in_dim3A_461 = vector.broadcast %broadcast_in_dim3A_460 : i32 to vector<16xi32>
    %gather3A_462 = tpu.vector_load_idx %arg8[%broadcast_in_dim3A_461] : memref<32xf32, #tpu.memory_space<vmem>>[vector<16xi32>], vector<16xf32>,
    %broadcast_in_dim3A_463 = arith.constant 0.000000e+00 : f32
    %broadcast_in_dim3A_464 = vector.broadcast %broadcast_in_dim3A_463 : f32 to vector<16xf32>
    %swap3A = arith.constant 0 : index
    %swap3A_465 = tpu.vector_load %arg6[%swap3A] {strides = array<i32>} : memref<2176xf32, #tpu.memory_space<vmem>>, vector<16xf32>,
    tpu.vector_store %arg6[%swap3A], %broadcast_in_dim3A_464 {strides = array<i32>} : memref<2176xf32, #tpu.memory_space<vmem>>, vector<16xf32>,
    %swap3A_466 = arith.constant 256 : index
    %swap3A_467 = tpu.vector_load %arg6[%swap3A_466] {strides = array<i32>} : memref<2176xf32, #tpu.memory_space<vmem>>, vector<16xf32>,
    tpu.vector_store %arg6[%swap3A_466], %broadcast_in_dim3A_464 {strides = array<i32>} : memref<2176xf32, #tpu.memory_space<vmem>>, vector<16xf32>,
    %swap3A_468 = arith.constant 272 : index
    %swap3A_469 = tpu.vector_load %arg6[%swap3A_468] {strides = array<i32>} : memref<2176xf32, #tpu.memory_space<vmem>>, vector<16xf32>,
    tpu.vector_store %arg6[%swap3A_468], %broadcast_in_dim3A_464 {strides = array<i32>} : memref<2176xf32, #tpu.memory_space<vmem>>, vector<16xf32>,
    %swap3A_470 = arith.constant 528 : index
    %swap3A_471 = tpu.vector_load %arg6[%swap3A_470] {strides = array<i32>} : memref<2176xf32, #tpu.memory_space<vmem>>, vector<16xf32>,
    tpu.vector_store %arg6[%swap3A_470], %broadcast_in_dim3A_464 {strides = array<i32>} : memref<2176xf32, #tpu.memory_space<vmem>>, vector<16xf32>,
    %swap3A_472 = arith.constant 544 : index
    %swap3A_473 = tpu.vector_load %arg6[%swap3A_472] {strides = array<i32>} : memref<2176xf32, #tpu.memory_space<vmem>>, vector<16xf32>,
    tpu.vector_store %arg6[%swap3A_472], %broadcast_in_dim3A_464 {strides = array<i32>} : memref<2176xf32, #tpu.memory_space<vmem>>, vector<16xf32>,
    %swap3A_474 = arith.constant 800 : index
    %swap3A_475 = tpu.vector_load %arg6[%swap3A_474] {strides = array<i32>} : memref<2176xf32, #tpu.memory_space<vmem>>, vector<16xf32>,
    tpu.vector_store %arg6[%swap3A_474], %broadcast_in_dim3A_464 {strides = array<i32>} : memref<2176xf32, #tpu.memory_space<vmem>>, vector<16xf32>,
    %swap3A_476 = arith.constant 816 : index
    %swap3A_477 = tpu.vector_load %arg6[%swap3A_476] {strides = array<i32>} : memref<2176xf32, #tpu.memory_space<vmem>>, vector<16xf32>,
    tpu.vector_store %arg6[%swap3A_476], %broadcast_in_dim3A_464 {strides = array<i32>} : memref<2176xf32, #tpu.memory_space<vmem>>, vector<16xf32>,
    %swap3A_478 = arith.constant 1072 : index
    %swap3A_479 = tpu.vector_load %arg6[%swap3A_478] {strides = array<i32>} : memref<2176xf32, #tpu.memory_space<vmem>>, vector<16xf32>,
    tpu.vector_store %arg6[%swap3A_478], %broadcast_in_dim3A_464 {strides = array<i32>} : memref<2176xf32, #tpu.memory_space<vmem>>, vector<16xf32>,
    %swap3A_480 = arith.constant 1088 : index
    %swap3A_481 = tpu.vector_load %arg6[%swap3A_480] {strides = array<i32>} : memref<2176xf32, #tpu.memory_space<vmem>>, vector<16xf32>,
    tpu.vector_store %arg6[%swap3A_480], %broadcast_in_dim3A_464 {strides = array<i32>} : memref<2176xf32, #tpu.memory_space<vmem>>, vector<16xf32>,
    %swap3A_482 = arith.constant 1344 : index
    %swap3A_483 = tpu.vector_load %arg6[%swap3A_482] {strides = array<i32>} : memref<2176xf32, #tpu.memory_space<vmem>>, vector<16xf32>,
    tpu.vector_store %arg6[%swap3A_482], %broadcast_in_dim3A_464 {strides = array<i32>} : memref<2176xf32, #tpu.memory_space<vmem>>, vector<16xf32>,
    %swap3A_484 = arith.constant 1360 : index
    %swap3A_485 = tpu.vector_load %arg6[%swap3A_484] {strides = array<i32>} : memref<2176xf32, #tpu.memory_space<vmem>>, vector<16xf32>,
    tpu.vector_store %arg6[%swap3A_484], %broadcast_in_dim3A_464 {strides = array<i32>} : memref<2176xf32, #tpu.memory_space<vmem>>, vector<16xf32>,
    %swap3A_486 = arith.constant 1616 : index
    %swap3A_487 = tpu.vector_load %arg6[%swap3A_486] {strides = array<i32>} : memref<2176xf32, #tpu.memory_space<vmem>>, vector<16xf32>,
    tpu.vector_store %arg6[%swap3A_486], %broadcast_in_dim3A_464 {strides = array<i32>} : memref<2176xf32, #tpu.memory_space<vmem>>, vector<16xf32>,
    %swap3A_488 = arith.constant 1632 : index
    %swap3A_489 = tpu.vector_load %arg6[%swap3A_488] {strides = array<i32>} : memref<2176xf32, #tpu.memory_space<vmem>>, vector<16xf32>,
    tpu.vector_store %arg6[%swap3A_488], %broadcast_in_dim3A_464 {strides = array<i32>} : memref<2176xf32, #tpu.memory_space<vmem>>, vector<16xf32>,
    %swap3A_490 = arith.constant 1888 : index
    %swap3A_491 = tpu.vector_load %arg6[%swap3A_490] {strides = array<i32>} : memref<2176xf32, #tpu.memory_space<vmem>>, vector<16xf32>,
    tpu.vector_store %arg6[%swap3A_490], %broadcast_in_dim3A_464 {strides = array<i32>} : memref<2176xf32, #tpu.memory_space<vmem>>, vector<16xf32>,
    %swap3A_492 = arith.constant 1904 : index
    %swap3A_493 = tpu.vector_load %arg6[%swap3A_492] {strides = array<i32>} : memref<2176xf32, #tpu.memory_space<vmem>>, vector<16xf32>,
    tpu.vector_store %arg6[%swap3A_492], %broadcast_in_dim3A_464 {strides = array<i32>} : memref<2176xf32, #tpu.memory_space<vmem>>, vector<16xf32>,
    %swap3A_494 = arith.constant 2160 : index
    %swap3A_495 = tpu.vector_load %arg6[%swap3A_494] {strides = array<i32>} : memref<2176xf32, #tpu.memory_space<vmem>>, vector<16xf32>,
    tpu.vector_store %arg6[%swap3A_494], %broadcast_in_dim3A_464 {strides = array<i32>} : memref<2176xf32, #tpu.memory_space<vmem>>, vector<16xf32>,
    %parallel_loop3A = arith.constant 0 : i32
    %parallel_loop3A_496 = arith.constant 128 : i32
    %parallel_loop3A_497 = arith.constant 1 : i32
    scf.for %parallel_loop3A_501 = %parallel_loop3A to %parallel_loop3A_496 step %parallel_loop3A_497  : i32 {
      %parallel_loop3A_502 = arith.constant 4 : i32
      %parallel_loop3A_503 = arith.shrui %parallel_loop3A_501, %parallel_loop3A_502 : i32
      %parallel_loop3A_504 = arith.constant 15 : i32
      %parallel_loop3A_505 = arith.andi %parallel_loop3A_501, %parallel_loop3A_504 : i32
      %parallel_loop3A_506 = arith.constant 16 : i32
      %parallel_loop3A_507 = arith.muli %parallel_loop3A_505, %parallel_loop3A_506 : i32
      %parallel_loop3A_508 = arith.constant 256 : i32
      %parallel_loop3A_509 = arith.muli %parallel_loop3A_503, %parallel_loop3A_508 : i32
      %parallel_loop3A_510 = arith.addi %parallel_loop3A_509, %parallel_loop3A_507 : i32
      %parallel_loop3A_511 = arith.index_cast %parallel_loop3A_510 : i32 to index
      %parallel_loop3A_512 = tpu.vector_load %arg5[%parallel_loop3A_511] {strides = array<i32>} : memref<2048xf32, #tpu.memory_space<vmem>>, vector<16xf32>,
      %parallel_loop3A_513 = vector.bitcast %parallel_loop3A_512 : vector<16xf32> to vector<16xi32>
      %parallel_loop3A_514 = arith.constant 16 : i32
      %parallel_loop3A_515 = vector.broadcast %parallel_loop3A_514 : i32 to vector<16xi32>
      %parallel_loop3A_516 = arith.shrui %parallel_loop3A_513, %parallel_loop3A_515 : vector<16xi32>
      %parallel_loop3A_517 = arith.constant 1 : i32
      %parallel_loop3A_518 = vector.broadcast %parallel_loop3A_517 : i32 to vector<16xi32>
      %parallel_loop3A_519 = arith.andi %parallel_loop3A_516, %parallel_loop3A_518 : vector<16xi32>
      %parallel_loop3A_520 = arith.constant 32767 : i32
      %parallel_loop3A_521 = vector.broadcast %parallel_loop3A_520 : i32 to vector<16xi32>
      %parallel_loop3A_522 = arith.addi %parallel_loop3A_513, %parallel_loop3A_521 : vector<16xi32>
      %parallel_loop3A_523 = arith.addi %parallel_loop3A_522, %parallel_loop3A_519 : vector<16xi32>
      %parallel_loop3A_524 = arith.constant -65536 : i32
      %parallel_loop3A_525 = vector.broadcast %parallel_loop3A_524 : i32 to vector<16xi32>
      %parallel_loop3A_526 = arith.andi %parallel_loop3A_523, %parallel_loop3A_525 : vector<16xi32>
      %parallel_loop3A_527 = vector.bitcast %parallel_loop3A_526 : vector<16xi32> to vector<16xf32>
      %parallel_loop3A_528 = arith.constant 272 : i32
      %parallel_loop3A_529 = arith.muli %parallel_loop3A_503, %parallel_loop3A_528 : i32
      %parallel_loop3A_530 = arith.constant 8 : i32
      %parallel_loop3A_531 = arith.addi %parallel_loop3A_529, %parallel_loop3A_530 : i32
      %parallel_loop3A_532 = arith.addi %parallel_loop3A_531, %parallel_loop3A_507 : i32
      %parallel_loop3A_533 = arith.index_cast %parallel_loop3A_532 : i32 to index
      %parallel_loop3A_534 = tpu.vector_load %arg6[%parallel_loop3A_533] {strides = array<i32>} : memref<2176xf32, #tpu.memory_space<vmem>>, vector<16xf32>,
      tpu.vector_store %arg6[%parallel_loop3A_533], %parallel_loop3A_527 {strides = array<i32>} : memref<2176xf32, #tpu.memory_space<vmem>>, vector<16xf32>,
    } {sc.loop_unroll_factor = 4 : i64, sc.parallel_access}
    %parallel_loop3A_498 = arith.constant 0 : i32
    %parallel_loop3A_499 = arith.constant 128 : i32
    %parallel_loop3A_500 = arith.constant 1 : i32
    scf.for %parallel_loop3A_501 = %parallel_loop3A_498 to %parallel_loop3A_499 step %parallel_loop3A_500  : i32 {
      %parallel_loop3A_502 = arith.constant 4 : i32
      %parallel_loop3A_503 = arith.shrui %parallel_loop3A_501, %parallel_loop3A_502 : i32
      %parallel_loop3A_504 = arith.constant 15 : i32
      %parallel_loop3A_505 = arith.andi %parallel_loop3A_501, %parallel_loop3A_504 : i32
      %parallel_loop3A_506 = arith.constant 16 : i32
      %parallel_loop3A_507 = arith.muli %parallel_loop3A_505, %parallel_loop3A_506 : i32
      %parallel_loop3A_508 = arith.constant 256 : i32
      %parallel_loop3A_509 = arith.muli %parallel_loop3A_503, %parallel_loop3A_508 : i32
      %parallel_loop3A_510 = arith.constant 272 : i32
      %parallel_loop3A_511 = arith.muli %parallel_loop3A_503, %parallel_loop3A_510 : i32
      %parallel_loop3A_512 = arith.constant 8 : i32
      %parallel_loop3A_513 = arith.addi %parallel_loop3A_511, %parallel_loop3A_512 : i32
      %parallel_loop3A_514 = arith.sitofp %parallel_loop3A_507 : i32 to f32
      %parallel_loop3A_515 = vector.broadcast %parallel_loop3A_514 : f32 to vector<16xf32>
      %parallel_loop3A_516 = arith.addf %convert_element_type3A, %parallel_loop3A_515 : vector<16xf32>
      %parallel_loop3A_517 = arith.addi %parallel_loop3A_513, %parallel_loop3A_507 : i32
      %parallel_loop3A_518 = arith.constant -2 : i32
      %parallel_loop3A_519 = arith.addi %parallel_loop3A_517, %parallel_loop3A_518 : i32
      %parallel_loop3A_520 = arith.index_cast %parallel_loop3A_519 : i32 to index
      %parallel_loop3A_521 = tpu.vector_load %arg6[%parallel_loop3A_520] {strides = array<i32>} : memref<2176xf32, #tpu.memory_space<vmem>>, vector<16xf32>,
      %parallel_loop3A_522 = arith.addi %parallel_loop3A_513, %parallel_loop3A_507 : i32
      %parallel_loop3A_523 = arith.constant -1 : i32
      %parallel_loop3A_524 = arith.addi %parallel_loop3A_522, %parallel_loop3A_523 : i32
      %parallel_loop3A_525 = arith.index_cast %parallel_loop3A_524 : i32 to index
      %parallel_loop3A_526 = tpu.vector_load %arg6[%parallel_loop3A_525] {strides = array<i32>} : memref<2176xf32, #tpu.memory_space<vmem>>, vector<16xf32>,
      %parallel_loop3A_527 = arith.addi %parallel_loop3A_513, %parallel_loop3A_507 : i32
      %parallel_loop3A_528 = arith.constant 0 : i32
      %parallel_loop3A_529 = arith.addi %parallel_loop3A_527, %parallel_loop3A_528 : i32
      %parallel_loop3A_530 = arith.index_cast %parallel_loop3A_529 : i32 to index
      %parallel_loop3A_531 = tpu.vector_load %arg6[%parallel_loop3A_530] {strides = array<i32>} : memref<2176xf32, #tpu.memory_space<vmem>>, vector<16xf32>,
      %parallel_loop3A_532 = arith.addi %parallel_loop3A_513, %parallel_loop3A_507 : i32
      %parallel_loop3A_533 = arith.constant 1 : i32
      %parallel_loop3A_534 = arith.addi %parallel_loop3A_532, %parallel_loop3A_533 : i32
      %parallel_loop3A_535 = arith.index_cast %parallel_loop3A_534 : i32 to index
      %parallel_loop3A_536 = tpu.vector_load %arg6[%parallel_loop3A_535] {strides = array<i32>} : memref<2176xf32, #tpu.memory_space<vmem>>, vector<16xf32>,
      %parallel_loop3A_537 = arith.addi %parallel_loop3A_513, %parallel_loop3A_507 : i32
      %parallel_loop3A_538 = arith.constant 2 : i32
      %parallel_loop3A_539 = arith.addi %parallel_loop3A_537, %parallel_loop3A_538 : i32
      %parallel_loop3A_540 = arith.index_cast %parallel_loop3A_539 : i32 to index
      %parallel_loop3A_541 = tpu.vector_load %arg6[%parallel_loop3A_540] {strides = array<i32>} : memref<2176xf32, #tpu.memory_space<vmem>>, vector<16xf32>,
      %parallel_loop3A_542 = arith.mulf %parallel_loop3A_521, %bitcast3A_15 : vector<16xf32>
      %parallel_loop3A_543 = arith.mulf %parallel_loop3A_526, %bitcast3A_33 : vector<16xf32>
      %parallel_loop3A_544 = arith.addf %parallel_loop3A_542, %parallel_loop3A_543 : vector<16xf32>
      %parallel_loop3A_545 = arith.mulf %parallel_loop3A_531, %bitcast3A_51 : vector<16xf32>
      %parallel_loop3A_546 = arith.addf %parallel_loop3A_544, %parallel_loop3A_545 : vector<16xf32>
      %parallel_loop3A_547 = arith.mulf %parallel_loop3A_536, %bitcast3A_69 : vector<16xf32>
      %parallel_loop3A_548 = arith.addf %parallel_loop3A_546, %parallel_loop3A_547 : vector<16xf32>
      %parallel_loop3A_549 = arith.mulf %parallel_loop3A_541, %bitcast3A_87 : vector<16xf32>
      %parallel_loop3A_550 = arith.addf %parallel_loop3A_548, %parallel_loop3A_549 : vector<16xf32>
      %parallel_loop3A_551 = arith.addf %parallel_loop3A_550, %gather3A_450 : vector<16xf32>
      %parallel_loop3A_552 = arith.constant 2.000000e+01 : f32
      %parallel_loop3A_553 = vector.broadcast %parallel_loop3A_552 : f32 to vector<16xf32>
      %parallel_loop3A_554 = arith.minimumf %parallel_loop3A_551, %parallel_loop3A_553 : vector<16xf32>
      %parallel_loop3A_555 = arith.addf %parallel_loop3A_554, %parallel_loop3A_554 : vector<16xf32>
      %parallel_loop3A_556 = math.exp %parallel_loop3A_555 : vector<16xf32>
      %parallel_loop3A_557 = arith.constant 1.000000e+00 : f32
      %parallel_loop3A_558 = vector.broadcast %parallel_loop3A_557 : f32 to vector<16xf32>
      %parallel_loop3A_559 = arith.subf %parallel_loop3A_556, %parallel_loop3A_558 : vector<16xf32>
      %parallel_loop3A_560 = arith.constant 1.000000e+00 : f32
      %parallel_loop3A_561 = vector.broadcast %parallel_loop3A_560 : f32 to vector<16xf32>
      %parallel_loop3A_562 = arith.addf %parallel_loop3A_556, %parallel_loop3A_561 : vector<16xf32>
      %parallel_loop3A_563 = arith.divf %parallel_loop3A_559, %parallel_loop3A_562 : vector<16xf32>
      %parallel_loop3A_564 = arith.constant 5.000000e+00 : f32
      %parallel_loop3A_565 = vector.broadcast %parallel_loop3A_564 : f32 to vector<16xf32>
      %parallel_loop3A_566 = arith.mulf %parallel_loop3A_563, %parallel_loop3A_565 : vector<16xf32>
      %parallel_loop3A_567 = arith.addf %parallel_loop3A_566, %parallel_loop3A_516 : vector<16xf32>
      %parallel_loop3A_568 = arith.constant -2.000000e+00 : f32
      %parallel_loop3A_569 = vector.broadcast %parallel_loop3A_568 : f32 to vector<16xf32>
      %parallel_loop3A_570 = arith.addf %parallel_loop3A_567, %parallel_loop3A_569 : vector<16xf32>
      %parallel_loop3A_571 = arith.constant 7.000000e+00 : f32
      %parallel_loop3A_572 = vector.broadcast %parallel_loop3A_571 : f32 to vector<16xf32>
      %parallel_loop3A_573 = arith.addf %parallel_loop3A_570, %parallel_loop3A_572 : vector<16xf32>
      %parallel_loop3A_574 = arith.fptosi %parallel_loop3A_573 : vector<16xf32> to vector<16xi32>
      %parallel_loop3A_575 = arith.constant 249 : i32
      %parallel_loop3A_576 = vector.broadcast %parallel_loop3A_575 : i32 to vector<16xi32>
      %parallel_loop3A_577 = arith.addi %parallel_loop3A_574, %parallel_loop3A_576 : vector<16xi32>
      %parallel_loop3A_578 = arith.constant 255 : i32
      %parallel_loop3A_579 = vector.broadcast %parallel_loop3A_578 : i32 to vector<16xi32>
      %parallel_loop3A_580 = arith.andi %parallel_loop3A_577, %parallel_loop3A_579 : vector<16xi32>
      %parallel_loop3A_581 = vector.broadcast %parallel_loop3A_509 : i32 to vector<16xi32>
      %parallel_loop3A_582 = arith.addi %parallel_loop3A_580, %parallel_loop3A_581 : vector<16xi32>
      %parallel_loop3A_583 = tpu.vector_load_idx %arg5[%parallel_loop3A_582] : memref<2048xf32, #tpu.memory_space<vmem>>[vector<16xi32>], vector<16xf32>,
      %parallel_loop3A_584 = arith.addf %broadcast_in_dim3A_464, %parallel_loop3A_583 : vector<16xf32>
      %parallel_loop3A_585 = arith.mulf %parallel_loop3A_521, %bitcast3A_105 : vector<16xf32>
      %parallel_loop3A_586 = arith.mulf %parallel_loop3A_526, %bitcast3A_123 : vector<16xf32>
      %parallel_loop3A_587 = arith.addf %parallel_loop3A_585, %parallel_loop3A_586 : vector<16xf32>
      %parallel_loop3A_588 = arith.mulf %parallel_loop3A_531, %bitcast3A_141 : vector<16xf32>
      %parallel_loop3A_589 = arith.addf %parallel_loop3A_587, %parallel_loop3A_588 : vector<16xf32>
      %parallel_loop3A_590 = arith.mulf %parallel_loop3A_536, %bitcast3A_159 : vector<16xf32>
      %parallel_loop3A_591 = arith.addf %parallel_loop3A_589, %parallel_loop3A_590 : vector<16xf32>
      %parallel_loop3A_592 = arith.mulf %parallel_loop3A_541, %bitcast3A_177 : vector<16xf32>
      %parallel_loop3A_593 = arith.addf %parallel_loop3A_591, %parallel_loop3A_592 : vector<16xf32>
      %parallel_loop3A_594 = arith.addf %parallel_loop3A_593, %gather3A_453 : vector<16xf32>
      %parallel_loop3A_595 = arith.constant 2.000000e+01 : f32
      %parallel_loop3A_596 = vector.broadcast %parallel_loop3A_595 : f32 to vector<16xf32>
      %parallel_loop3A_597 = arith.minimumf %parallel_loop3A_594, %parallel_loop3A_596 : vector<16xf32>
      %parallel_loop3A_598 = arith.addf %parallel_loop3A_597, %parallel_loop3A_597 : vector<16xf32>
      %parallel_loop3A_599 = math.exp %parallel_loop3A_598 : vector<16xf32>
      %parallel_loop3A_600 = arith.constant 1.000000e+00 : f32
      %parallel_loop3A_601 = vector.broadcast %parallel_loop3A_600 : f32 to vector<16xf32>
      %parallel_loop3A_602 = arith.subf %parallel_loop3A_599, %parallel_loop3A_601 : vector<16xf32>
      %parallel_loop3A_603 = arith.constant 1.000000e+00 : f32
      %parallel_loop3A_604 = vector.broadcast %parallel_loop3A_603 : f32 to vector<16xf32>
      %parallel_loop3A_605 = arith.addf %parallel_loop3A_599, %parallel_loop3A_604 : vector<16xf32>
      %parallel_loop3A_606 = arith.divf %parallel_loop3A_602, %parallel_loop3A_605 : vector<16xf32>
      %parallel_loop3A_607 = arith.constant 5.000000e+00 : f32
      %parallel_loop3A_608 = vector.broadcast %parallel_loop3A_607 : f32 to vector<16xf32>
      %parallel_loop3A_609 = arith.mulf %parallel_loop3A_606, %parallel_loop3A_608 : vector<16xf32>
      %parallel_loop3A_610 = arith.addf %parallel_loop3A_609, %parallel_loop3A_516 : vector<16xf32>
      %parallel_loop3A_611 = arith.constant -1.000000e+00 : f32
      %parallel_loop3A_612 = vector.broadcast %parallel_loop3A_611 : f32 to vector<16xf32>
      %parallel_loop3A_613 = arith.addf %parallel_loop3A_610, %parallel_loop3A_612 : vector<16xf32>
      %parallel_loop3A_614 = arith.constant 7.000000e+00 : f32
      %parallel_loop3A_615 = vector.broadcast %parallel_loop3A_614 : f32 to vector<16xf32>
      %parallel_loop3A_616 = arith.addf %parallel_loop3A_613, %parallel_loop3A_615 : vector<16xf32>
      %parallel_loop3A_617 = arith.fptosi %parallel_loop3A_616 : vector<16xf32> to vector<16xi32>
      %parallel_loop3A_618 = arith.constant 249 : i32
      %parallel_loop3A_619 = vector.broadcast %parallel_loop3A_618 : i32 to vector<16xi32>
      %parallel_loop3A_620 = arith.addi %parallel_loop3A_617, %parallel_loop3A_619 : vector<16xi32>
      %parallel_loop3A_621 = arith.constant 255 : i32
      %parallel_loop3A_622 = vector.broadcast %parallel_loop3A_621 : i32 to vector<16xi32>
      %parallel_loop3A_623 = arith.andi %parallel_loop3A_620, %parallel_loop3A_622 : vector<16xi32>
      %parallel_loop3A_624 = vector.broadcast %parallel_loop3A_509 : i32 to vector<16xi32>
      %parallel_loop3A_625 = arith.addi %parallel_loop3A_623, %parallel_loop3A_624 : vector<16xi32>
      %parallel_loop3A_626 = tpu.vector_load_idx %arg5[%parallel_loop3A_625] : memref<2048xf32, #tpu.memory_space<vmem>>[vector<16xi32>], vector<16xf32>,
      %parallel_loop3A_627 = arith.addf %parallel_loop3A_584, %parallel_loop3A_626 : vector<16xf32>
      %parallel_loop3A_628 = arith.mulf %parallel_loop3A_521, %bitcast3A_195 : vector<16xf32>
      %parallel_loop3A_629 = arith.mulf %parallel_loop3A_526, %bitcast3A_213 : vector<16xf32>
      %parallel_loop3A_630 = arith.addf %parallel_loop3A_628, %parallel_loop3A_629 : vector<16xf32>
      %parallel_loop3A_631 = arith.mulf %parallel_loop3A_531, %bitcast3A_231 : vector<16xf32>
      %parallel_loop3A_632 = arith.addf %parallel_loop3A_630, %parallel_loop3A_631 : vector<16xf32>
      %parallel_loop3A_633 = arith.mulf %parallel_loop3A_536, %bitcast3A_249 : vector<16xf32>
      %parallel_loop3A_634 = arith.addf %parallel_loop3A_632, %parallel_loop3A_633 : vector<16xf32>
      %parallel_loop3A_635 = arith.mulf %parallel_loop3A_541, %bitcast3A_267 : vector<16xf32>
      %parallel_loop3A_636 = arith.addf %parallel_loop3A_634, %parallel_loop3A_635 : vector<16xf32>
      %parallel_loop3A_637 = arith.addf %parallel_loop3A_636, %gather3A_456 : vector<16xf32>
      %parallel_loop3A_638 = arith.constant 2.000000e+01 : f32
      %parallel_loop3A_639 = vector.broadcast %parallel_loop3A_638 : f32 to vector<16xf32>
      %parallel_loop3A_640 = arith.minimumf %parallel_loop3A_637, %parallel_loop3A_639 : vector<16xf32>
      %parallel_loop3A_641 = arith.addf %parallel_loop3A_640, %parallel_loop3A_640 : vector<16xf32>
      %parallel_loop3A_642 = math.exp %parallel_loop3A_641 : vector<16xf32>
      %parallel_loop3A_643 = arith.constant 1.000000e+00 : f32
      %parallel_loop3A_644 = vector.broadcast %parallel_loop3A_643 : f32 to vector<16xf32>
      %parallel_loop3A_645 = arith.subf %parallel_loop3A_642, %parallel_loop3A_644 : vector<16xf32>
      %parallel_loop3A_646 = arith.constant 1.000000e+00 : f32
      %parallel_loop3A_647 = vector.broadcast %parallel_loop3A_646 : f32 to vector<16xf32>
      %parallel_loop3A_648 = arith.addf %parallel_loop3A_642, %parallel_loop3A_647 : vector<16xf32>
      %parallel_loop3A_649 = arith.divf %parallel_loop3A_645, %parallel_loop3A_648 : vector<16xf32>
      %parallel_loop3A_650 = arith.constant 5.000000e+00 : f32
      %parallel_loop3A_651 = vector.broadcast %parallel_loop3A_650 : f32 to vector<16xf32>
      %parallel_loop3A_652 = arith.mulf %parallel_loop3A_649, %parallel_loop3A_651 : vector<16xf32>
      %parallel_loop3A_653 = arith.addf %parallel_loop3A_652, %parallel_loop3A_516 : vector<16xf32>
      %parallel_loop3A_654 = arith.constant 0.000000e+00 : f32
      %parallel_loop3A_655 = vector.broadcast %parallel_loop3A_654 : f32 to vector<16xf32>
      %parallel_loop3A_656 = arith.addf %parallel_loop3A_653, %parallel_loop3A_655 : vector<16xf32>
      %parallel_loop3A_657 = arith.constant 7.000000e+00 : f32
      %parallel_loop3A_658 = vector.broadcast %parallel_loop3A_657 : f32 to vector<16xf32>
      %parallel_loop3A_659 = arith.addf %parallel_loop3A_656, %parallel_loop3A_658 : vector<16xf32>
      %parallel_loop3A_660 = arith.fptosi %parallel_loop3A_659 : vector<16xf32> to vector<16xi32>
      %parallel_loop3A_661 = arith.constant 249 : i32
      %parallel_loop3A_662 = vector.broadcast %parallel_loop3A_661 : i32 to vector<16xi32>
      %parallel_loop3A_663 = arith.addi %parallel_loop3A_660, %parallel_loop3A_662 : vector<16xi32>
      %parallel_loop3A_664 = arith.constant 255 : i32
      %parallel_loop3A_665 = vector.broadcast %parallel_loop3A_664 : i32 to vector<16xi32>
      %parallel_loop3A_666 = arith.andi %parallel_loop3A_663, %parallel_loop3A_665 : vector<16xi32>
      %parallel_loop3A_667 = vector.broadcast %parallel_loop3A_509 : i32 to vector<16xi32>
      %parallel_loop3A_668 = arith.addi %parallel_loop3A_666, %parallel_loop3A_667 : vector<16xi32>
      %parallel_loop3A_669 = tpu.vector_load_idx %arg5[%parallel_loop3A_668] : memref<2048xf32, #tpu.memory_space<vmem>>[vector<16xi32>], vector<16xf32>,
      %parallel_loop3A_670 = arith.addf %parallel_loop3A_627, %parallel_loop3A_669 : vector<16xf32>
      %parallel_loop3A_671 = arith.mulf %parallel_loop3A_521, %bitcast3A_285 : vector<16xf32>
      %parallel_loop3A_672 = arith.mulf %parallel_loop3A_526, %bitcast3A_303 : vector<16xf32>
      %parallel_loop3A_673 = arith.addf %parallel_loop3A_671, %parallel_loop3A_672 : vector<16xf32>
      %parallel_loop3A_674 = arith.mulf %parallel_loop3A_531, %bitcast3A_321 : vector<16xf32>
      %parallel_loop3A_675 = arith.addf %parallel_loop3A_673, %parallel_loop3A_674 : vector<16xf32>
      %parallel_loop3A_676 = arith.mulf %parallel_loop3A_536, %bitcast3A_339 : vector<16xf32>
      %parallel_loop3A_677 = arith.addf %parallel_loop3A_675, %parallel_loop3A_676 : vector<16xf32>
      %parallel_loop3A_678 = arith.mulf %parallel_loop3A_541, %bitcast3A_357 : vector<16xf32>
      %parallel_loop3A_679 = arith.addf %parallel_loop3A_677, %parallel_loop3A_678 : vector<16xf32>
      %parallel_loop3A_680 = arith.addf %parallel_loop3A_679, %gather3A_459 : vector<16xf32>
      %parallel_loop3A_681 = arith.constant 2.000000e+01 : f32
      %parallel_loop3A_682 = vector.broadcast %parallel_loop3A_681 : f32 to vector<16xf32>
      %parallel_loop3A_683 = arith.minimumf %parallel_loop3A_680, %parallel_loop3A_682 : vector<16xf32>
      %parallel_loop3A_684 = arith.addf %parallel_loop3A_683, %parallel_loop3A_683 : vector<16xf32>
      %parallel_loop3A_685 = math.exp %parallel_loop3A_684 : vector<16xf32>
      %parallel_loop3A_686 = arith.constant 1.000000e+00 : f32
      %parallel_loop3A_687 = vector.broadcast %parallel_loop3A_686 : f32 to vector<16xf32>
      %parallel_loop3A_688 = arith.subf %parallel_loop3A_685, %parallel_loop3A_687 : vector<16xf32>
      %parallel_loop3A_689 = arith.constant 1.000000e+00 : f32
      %parallel_loop3A_690 = vector.broadcast %parallel_loop3A_689 : f32 to vector<16xf32>
      %parallel_loop3A_691 = arith.addf %parallel_loop3A_685, %parallel_loop3A_690 : vector<16xf32>
      %parallel_loop3A_692 = arith.divf %parallel_loop3A_688, %parallel_loop3A_691 : vector<16xf32>
      %parallel_loop3A_693 = arith.constant 5.000000e+00 : f32
      %parallel_loop3A_694 = vector.broadcast %parallel_loop3A_693 : f32 to vector<16xf32>
      %parallel_loop3A_695 = arith.mulf %parallel_loop3A_692, %parallel_loop3A_694 : vector<16xf32>
      %parallel_loop3A_696 = arith.addf %parallel_loop3A_695, %parallel_loop3A_516 : vector<16xf32>
      %parallel_loop3A_697 = arith.constant 1.000000e+00 : f32
      %parallel_loop3A_698 = vector.broadcast %parallel_loop3A_697 : f32 to vector<16xf32>
      %parallel_loop3A_699 = arith.addf %parallel_loop3A_696, %parallel_loop3A_698 : vector<16xf32>
      %parallel_loop3A_700 = arith.constant 7.000000e+00 : f32
      %parallel_loop3A_701 = vector.broadcast %parallel_loop3A_700 : f32 to vector<16xf32>
      %parallel_loop3A_702 = arith.addf %parallel_loop3A_699, %parallel_loop3A_701 : vector<16xf32>
      %parallel_loop3A_703 = arith.fptosi %parallel_loop3A_702 : vector<16xf32> to vector<16xi32>
      %parallel_loop3A_704 = arith.constant 249 : i32
      %parallel_loop3A_705 = vector.broadcast %parallel_loop3A_704 : i32 to vector<16xi32>
      %parallel_loop3A_706 = arith.addi %parallel_loop3A_703, %parallel_loop3A_705 : vector<16xi32>
      %parallel_loop3A_707 = arith.constant 255 : i32
      %parallel_loop3A_708 = vector.broadcast %parallel_loop3A_707 : i32 to vector<16xi32>
      %parallel_loop3A_709 = arith.andi %parallel_loop3A_706, %parallel_loop3A_708 : vector<16xi32>
      %parallel_loop3A_710 = vector.broadcast %parallel_loop3A_509 : i32 to vector<16xi32>
      %parallel_loop3A_711 = arith.addi %parallel_loop3A_709, %parallel_loop3A_710 : vector<16xi32>
      %parallel_loop3A_712 = tpu.vector_load_idx %arg5[%parallel_loop3A_711] : memref<2048xf32, #tpu.memory_space<vmem>>[vector<16xi32>], vector<16xf32>,
      %parallel_loop3A_713 = arith.addf %parallel_loop3A_670, %parallel_loop3A_712 : vector<16xf32>
      %parallel_loop3A_714 = arith.mulf %parallel_loop3A_521, %bitcast3A_375 : vector<16xf32>
      %parallel_loop3A_715 = arith.mulf %parallel_loop3A_526, %bitcast3A_393 : vector<16xf32>
      %parallel_loop3A_716 = arith.addf %parallel_loop3A_714, %parallel_loop3A_715 : vector<16xf32>
      %parallel_loop3A_717 = arith.mulf %parallel_loop3A_531, %bitcast3A_411 : vector<16xf32>
      %parallel_loop3A_718 = arith.addf %parallel_loop3A_716, %parallel_loop3A_717 : vector<16xf32>
      %parallel_loop3A_719 = arith.mulf %parallel_loop3A_536, %bitcast3A_429 : vector<16xf32>
      %parallel_loop3A_720 = arith.addf %parallel_loop3A_718, %parallel_loop3A_719 : vector<16xf32>
      %parallel_loop3A_721 = arith.mulf %parallel_loop3A_541, %bitcast3A_447 : vector<16xf32>
      %parallel_loop3A_722 = arith.addf %parallel_loop3A_720, %parallel_loop3A_721 : vector<16xf32>
      %parallel_loop3A_723 = arith.addf %parallel_loop3A_722, %gather3A_462 : vector<16xf32>
      %parallel_loop3A_724 = arith.constant 2.000000e+01 : f32
      %parallel_loop3A_725 = vector.broadcast %parallel_loop3A_724 : f32 to vector<16xf32>
      %parallel_loop3A_726 = arith.minimumf %parallel_loop3A_723, %parallel_loop3A_725 : vector<16xf32>
      %parallel_loop3A_727 = arith.addf %parallel_loop3A_726, %parallel_loop3A_726 : vector<16xf32>
      %parallel_loop3A_728 = math.exp %parallel_loop3A_727 : vector<16xf32>
      %parallel_loop3A_729 = arith.constant 1.000000e+00 : f32
      %parallel_loop3A_730 = vector.broadcast %parallel_loop3A_729 : f32 to vector<16xf32>
      %parallel_loop3A_731 = arith.subf %parallel_loop3A_728, %parallel_loop3A_730 : vector<16xf32>
      %parallel_loop3A_732 = arith.constant 1.000000e+00 : f32
      %parallel_loop3A_733 = vector.broadcast %parallel_loop3A_732 : f32 to vector<16xf32>
      %parallel_loop3A_734 = arith.addf %parallel_loop3A_728, %parallel_loop3A_733 : vector<16xf32>
      %parallel_loop3A_735 = arith.divf %parallel_loop3A_731, %parallel_loop3A_734 : vector<16xf32>
      %parallel_loop3A_736 = arith.constant 5.000000e+00 : f32
      %parallel_loop3A_737 = vector.broadcast %parallel_loop3A_736 : f32 to vector<16xf32>
      %parallel_loop3A_738 = arith.mulf %parallel_loop3A_735, %parallel_loop3A_737 : vector<16xf32>
      %parallel_loop3A_739 = arith.addf %parallel_loop3A_738, %parallel_loop3A_516 : vector<16xf32>
      %parallel_loop3A_740 = arith.constant 2.000000e+00 : f32
      %parallel_loop3A_741 = vector.broadcast %parallel_loop3A_740 : f32 to vector<16xf32>
      %parallel_loop3A_742 = arith.addf %parallel_loop3A_739, %parallel_loop3A_741 : vector<16xf32>
      %parallel_loop3A_743 = arith.constant 7.000000e+00 : f32
      %parallel_loop3A_744 = vector.broadcast %parallel_loop3A_743 : f32 to vector<16xf32>
      %parallel_loop3A_745 = arith.addf %parallel_loop3A_742, %parallel_loop3A_744 : vector<16xf32>
      %parallel_loop3A_746 = arith.fptosi %parallel_loop3A_745 : vector<16xf32> to vector<16xi32>
      %parallel_loop3A_747 = arith.constant 249 : i32
      %parallel_loop3A_748 = vector.broadcast %parallel_loop3A_747 : i32 to vector<16xi32>
      %parallel_loop3A_749 = arith.addi %parallel_loop3A_746, %parallel_loop3A_748 : vector<16xi32>
      %parallel_loop3A_750 = arith.constant 255 : i32
      %parallel_loop3A_751 = vector.broadcast %parallel_loop3A_750 : i32 to vector<16xi32>
      %parallel_loop3A_752 = arith.andi %parallel_loop3A_749, %parallel_loop3A_751 : vector<16xi32>
      %parallel_loop3A_753 = vector.broadcast %parallel_loop3A_509 : i32 to vector<16xi32>
      %parallel_loop3A_754 = arith.addi %parallel_loop3A_752, %parallel_loop3A_753 : vector<16xi32>
      %parallel_loop3A_755 = tpu.vector_load_idx %arg5[%parallel_loop3A_754] : memref<2048xf32, #tpu.memory_space<vmem>>[vector<16xi32>], vector<16xf32>,
      %parallel_loop3A_756 = arith.addf %parallel_loop3A_713, %parallel_loop3A_755 : vector<16xf32>
      %parallel_loop3A_757 = arith.addi %parallel_loop3A_509, %parallel_loop3A_507 : i32
      %parallel_loop3A_758 = arith.index_cast %parallel_loop3A_757 : i32 to index
      %parallel_loop3A_759 = tpu.vector_load %arg7[%parallel_loop3A_758] {strides = array<i32>} : memref<2048xf32, #tpu.memory_space<vmem>>, vector<16xf32>,
      tpu.vector_store %arg7[%parallel_loop3A_758], %parallel_loop3A_756 {strides = array<i32>} : memref<2048xf32, #tpu.memory_space<vmem>>, vector<16xf32>,
    } {sc.loop_unroll_factor = 4 : i64, sc.parallel_access}
    "tpu.region"() ({
      %run_scoped3A = tpu.sem_alloc : memref<!tpu.dma_semaphore, #tpu.memory_space<semaphore_mem>>
      %dma_start3A = tpu.memref_slice %arg4[%mul3A_2] : memref<65536xf32, #tpu.memory_space<hbm>> -> memref<2048xf32, #tpu.memory_space<hbm>>
      %dma_start3A_501 = tpu.memref_slice %arg4[%mul3A_2] : memref<65536xf32, #tpu.memory_space<hbm>> -> memref<2048xf32, #tpu.memory_space<hbm>>
      tpu.enqueue_dma source(%arg7 : memref<2048xf32, #tpu.memory_space<vmem>>) target(%dma_start3A_501 : memref<2048xf32, #tpu.memory_space<hbm>>) target_semaphore(%run_scoped3A : memref<!tpu.dma_semaphore, #tpu.memory_space<semaphore_mem>>)
      %dma_wait3A = tpu.memref_slice %arg4[%mul3A_2] : memref<65536xf32, #tpu.memory_space<hbm>> -> memref<2048xf32, #tpu.memory_space<hbm>>
      %dma_wait3A_502 = tpu.memref_slice %arg4[%mul3A_2] : memref<65536xf32, #tpu.memory_space<hbm>> -> memref<2048xf32, #tpu.memory_space<hbm>>
      tpu.wait_dma2 semaphore(%run_scoped3A : memref<!tpu.dma_semaphore, #tpu.memory_space<semaphore_mem>>) src(%arg7 : memref<2048xf32, #tpu.memory_space<vmem>>) dst(%dma_wait3A_502 : memref<2048xf32, #tpu.memory_space<hbm>>)
      tpu.yield
    }) : () -> ()
    return
  }
}

</mosaic_0001>

<sc_bundles>
// kernel: kernel.3.cloned.1.call-start
scs
__scs_entry_jumppad:
0x0: {  	(pc) =	sbr.rel $0x88, $3  }
0x1: {  	(tag) =	ssettag $0x0;
	lr =	simm.s32 $0x1  }
0x2: {  	[smem:$0x3F9E] =	sst lr;
	_ =	strace $0xD0000000  }
0x3: {  	_ = 	snop  }
0x4: {  	_ = 	snop  }
0x5: {  	_ = 	snop  }
0x6: {  	_ = 	snop  }
0x7: {  	_ = 	snop  }
__scs_overlays_trampoline_lowered:
0x8: {  	[smem:$0x3FAD] =	sst s0  }
0x9: {  	[smem:$0x3FAE] =	sst s1  }
0xa: {  	[smem:$0x3FAF] =	sst s2  }
0xb: {  	[smem:$0x3FB0] =	sst s3  }
0xc: {  	[smem:$0x3FB1] =	sst s4  }
0xd: {  	[smem:$0x3FB2] =	sst s5  }
0xe: {  	[smem:$0x3FB3] =	sst s6  }
0xf: {  	[smem:$0x3FB4] =	sst s7  }
0x10: {  	[smem:$0x3FB5] =	sst s8  }
0x11: {  	[smem:$0x3FB6] =	sst s9;
	s0 =	simm.s32 @!p0 $0x0  }
0x12: {  	s1 =	sld [smem:$0x3F9C];
	s0 =	simm.s32 @p0 $0x1  }
0x13: {  	[smem:$0x3FB7] =	sst s0;
	s0 =	simm.s32 @!p1 $0x0  }
0x14: {  	s2 =	sld [smem:$0x3F9B];
	s0 =	simm.s32 @p1 $0x1  }
0x15: {  	[smem:$0x3FB8] =	sst s0;
	s0 =	simm.s32 @!p2 $0x0  }
0x16: {  	s3 =	sld [smem:$0x3FDB];
	s0 =	simm.s32 @p2 $0x1  }
0x17: {  	s4 =	simm.s32 $0x1BF5;
	[smem:$0x3FBA] =	sst s0  }
0x18: {  	s0 =	sld [smem:$0x3F9D];
	_ =	swait.ge [sflag:s4], $0x0  }
0x19: {  	s7 =	sld [smem:$0x3F9E]  }
0x1a: {  	s8 =	sadd.s32 $0xFFFFE003, lr  }
0x1b: {  	s9 =	sadd.s32 $0xFFFFFEF7, lr;
	s5 =	simm.s32 $0xFFFFFFFF;
	p2 =	slt.u32 s8, $0xFFFFF086  }
0x1c: {  	p1 =	slt.u32 s9, $0xF7A;
	s5 =	simm.s32 @!p2 $0x0  }
0x1d: {  	s5 =	simm.s32 @p1 $0x1;
	p0 =	seq.s32 s7, s2  }
0x1e: {  	s7 =	smul.u32 @!p0 $0xF7A, s2;
	p2 =	seq.s32 @!p0 s5, $0x0  }
0x1f: {  	s9 =	smul.u32 $0xF7A, s1;
	s8 =	simm.s32 @!p0 $0x1BF5;
	p2 =	por !p2, p0  }
0x20: {  	[sflag:s8] =	ssyncset.s32 @!p0 $0xFFFFF086;
	s6 =	sadd.s32 @!p0 s3, s7;
	s7 =	simm.s32 @!p0 $0x108  }
0x21: {  	s3 =	sadd.s32 s3, s9;
	s6 =	sadd.s32 @!p0 $0x88, s6;
	s7 =	simm.s32 @p2 $0x1082  }
0x22: {  	[simem:s7], [sflag:s8] =	dma.local @!p0 [hbm:s6], $0xF7A  }
0x23: {  	s9 =	sor.u32 $0xD0000000, s2;
	s6 =	simm.s32 $0x108;
	_ =	swait.ge @!p0 [sflag:s8], $0x0  }
0x24: {  	s3 =	sadd.s32 $0x88, s3;
	s6 =	simm.s32 @!p1 $0x1082;
	[sflag:s4] =	ssyncset.s32 $0xFFFFF086  }
0x25: {  	[simem:s6], [sflag:s4] =	dma.local [hbm:s3], $0xF7A  }
0x26: {  	[smem:$0x3F9E] =	sst s1;
	(tag) =	ssettag s2;
	_ =	strace s9  }
0x27: {  	s1 =	sld [smem:$0x3FAE]  }
0x28: {  	s2 =	sld [smem:$0x3FAF]  }
0x29: {  	s4 =	sld [smem:$0x3FB1]  }
0x2a: {  	p0 =	seq.s32 s5, $0x0;
	s5 =	sld [smem:$0x3FB2]  }
0x2b: {  	s6 =	sld [smem:$0x3FB3]  }
0x2c: {  	s7 =	sld [smem:$0x3FB4]  }
0x2d: {  	s3 =	simm.s32 $0x108;
	s8 =	sld [smem:$0x3FB5]  }
0x2e: {  	s3 =	simm.s32 @!p0 $0x1082;
	s9 =	sld [smem:$0x3FB6]  }
0x2f: {  	lr =	sadd.s32 s0, s3;
	s0 =	sld [smem:$0x3FAD]  }
0x30: {  	s3 =	sld [smem:$0x3FB0]  }
0x31: {  	[smem:$0x3FB9] =	sst s10  }
0x32: {  	s10 =	sld [smem:$0x3FB7];
	_ =	sdelay $0x3  }
0x33: {  	p0 =	seq.s32 s10, $0x1;
	s10 =	sld [smem:$0x3FB9];
	_ =	sdelay $0x3  }
0x34: {  	[smem:$0x3FB9] =	sst s10  }
0x35: {  	s10 =	sld [smem:$0x3FB8];
	_ =	sdelay $0x3  }
0x36: {  	p1 =	seq.s32 s10, $0x1;
	s10 =	sld [smem:$0x3FB9];
	_ =	sdelay $0x3  }
0x37: {  	[smem:$0x3FB9] =	sst s10  }
0x38: {  	s10 =	sld [smem:$0x3FBA]  }
0x39: {  	_ = 	snop;
	(pc) =	sbr.ind lr, $3  }
0x3a: {  	_ = 	snop  }
0x3b: {  	_ = 	snop  }
0x3c: {  	p2 =	seq.s32 s10, $0x1;
	s10 =	sld [smem:$0x3FB9]  }
0x3d: {  	_ =	shalt  }
0x3e: {  	_ =	shalt  }
0x3f: {  	_ =	shalt  }
0x40: {  	_ =	shalt  }
0x41: {  	_ =	shalt  }
0x42: {  	_ =	shalt  }
0x43: {  	_ =	shalt  }
0x44: {  	_ =	shalt  }
0x45: {  	_ =	shalt  }
0x46: {  	_ =	shalt  }
0x47: {  	_ =	shalt  }
0x48: {  	_ =	shalt  }
0x49: {  	_ =	shalt  }
0x4a: {  	_ =	shalt  }
0x4b: {  	_ =	shalt  }
0x4c: {  	_ =	shalt  }
0x4d: {  	_ =	shalt  }
0x4e: {  	_ =	shalt  }
0x4f: {  	_ =	shalt  }
0x50: {  	_ =	shalt  }
0x51: {  	_ =	shalt  }
0x52: {  	_ =	shalt  }
0x53: {  	_ =	shalt  }
0x54: {  	_ =	shalt  }
0x55: {  	_ =	shalt  }
0x56: {  	_ =	shalt  }
0x57: {  	_ =	shalt  }
0x58: {  	_ =	shalt  }
0x59: {  	_ =	shalt  }
0x5a: {  	_ =	shalt  }
0x5b: {  	_ =	shalt  }
0x5c: {  	_ =	shalt  }
0x5d: {  	_ =	shalt  }
0x5e: {  	_ =	shalt  }
0x5f: {  	_ =	shalt  }
0x60: {  	_ =	shalt  }
0x61: {  	_ =	shalt  }
0x62: {  	_ =	shalt  }
0x63: {  	_ =	shalt  }
0x64: {  	_ =	shalt  }
0x65: {  	_ =	shalt  }
0x66: {  	_ =	shalt  }
0x67: {  	_ =	shalt  }
0x68: {  	_ =	shalt  }
0x69: {  	_ =	shalt  }
0x6a: {  	_ =	shalt  }
0x6b: {  	_ =	shalt  }
0x6c: {  	_ =	shalt  }
0x6d: {  	_ =	shalt  }
0x6e: {  	_ =	shalt  }
0x6f: {  	_ =	shalt  }
0x70: {  	_ =	shalt  }
0x71: {  	_ =	shalt  }
0x72: {  	_ =	shalt  }
0x73: {  	_ =	shalt  }
0x74: {  	_ =	shalt  }
0x75: {  	_ =	shalt  }
0x76: {  	_ =	shalt  }
0x77: {  	_ =	shalt  }
0x78: {  	_ =	shalt  }
0x79: {  	_ =	shalt  }
0x7a: {  	_ =	shalt  }
0x7b: {  	_ =	shalt  }
0x7c: {  	_ =	shalt  }
0x7d: {  	_ =	shalt  }
0x7e: {  	_ =	shalt  }
0x7f: {  	_ =	shalt  }
0x80: {  	_ =	shalt  }
0x81: {  	_ =	shalt  }
0x82: {  	_ =	shalt  }
0x83: {  	_ =	shalt  }
0x84: {  	_ =	shalt  }
0x85: {  	_ =	shalt  }
0x86: {  	_ =	shalt  }
0x87: {  	_ =	shalt  }
.Lfunc_end0:
.L_simem_size_0:
called_computation_lowered:
.L_overlay_start_0:
0x88: {  	s2 =	sld [smem:$0x3FD9]  }
0x89: {  	s3 =	sld [smem:$0x3FFE];
	_ =	sdelay $0x1  }
0x8a: {  	s1 =	srdreg.scid  }
0x8b: {  	s0 =	sand.u32 $0x1, s1  }
0x8c: {  	s17 =	sshll.u32 s0, $0xA;
	s2 =	sadd.s32 s3, s2  }
0x8d: {  	s2 =	sadd.s32 s2, s17  }
0x8e: {  	[smem:$0x3FC5] =	sst s2  }
0x8f: {  	_ = 	snop  }
0x90: {  	s2 =	sld [smem:$0x3FD0];
	(tm) =	ssettm $0x1  }
0x91: {  	s18 =	sld [smem:$0x3FFB];
	_ =	sdelay $0x3  }
0x92: {  	_ =	strace s18  }
0x93: {  	s3 =	sld [smem:$0x3FFC];
	_ =	sdelay $0x3  }
0x94: {  	_ =	strace s3  }
0x95: {  	s3 =	sld [smem:$0x3FFD];
	_ =	sdelay $0x3  }
0x96: {  	_ =	strace s3  }
0x97: {  	_ =	strace $0x8FFFFFFF  }
0x98: {  	s19 =	sld [smem:$0x3FDB];
	_ =	sdelay $0x1  }
0x99: {  	s4 =	simm.s32 $_scs_section_size  }
0x9a: {  	s5 =	simm.s32 $_size__tile_overlayer_lowered;
	s6 =	simm.s32 $_tile_overlayer_lowered  }
0x9b: {  	s22 =	simm.s32 $0x1BFF;
	s21 =	sshll.u32 s6, $0x1;
	s3 =	sadd.s32 s4, s19  }
0x9c: {  	s7 =	simm.s32 $0x0;
	s20 =	sshll.u32 s5, $0x1;
	s5 =	sadd.s32 s21, s3  }
0x9d: {  	[timem:s7], [sflag:s22] =	dma.local [hbm:s5], s20  }
0x9e: {  	_ =	swait.ge [sflag:s22], s20  }
0x9f: {  	s4 =	ssub.s32 $0x0, s20;
	[sflag:s22] =	ssyncset.done $0x0  }
0xa0: {  	[sflag:s22] =	ssyncadd.s32 s4;
	_ =	sdelay $0x1  }
0xa1: {  	s23 =	simm.s32 $0x1B8B  }
0xa2: {  	_ =	swait.ge [sflag:s23], $0x1  }
0xa3: {  	[sflag:s23] =	ssyncset.done $0x0  }
0xa4: {  	s25 =	simm.s32 $0x1B8E;
	s24 =	sld [smem:$0x3FFE];
	[sflag:s23] =	ssyncadd.s32 $0xFFFFFFFF  }
0xa5: {  	s26 =	simm.s32 $execute0_lowered;
	[smem:$0x3FD2] =	sst s25  }
0xa6: {  	s5 =	sshll.u32 s26, $0x1;
	_ =	strace $0x80000046;
	[dreg:$0x1] =	wrdreg $0xFFFFFFFF  }
0xa7: {  	s28 =	simm.s32 $_size_execute0_lowered;
	s3 =	sadd.s32 s3, s5;
	[dreg:$0x0] =	wrdreg $0x0  }
0xa8: {  	s5 =	sshll.u32 s28, $0x1;
	[dreg:$0x2] =	wrdreg s3  }
0xa9: {  	[dreg:$0x3] =	wrdreg s5  }
0xaa: {  	[dreg:$0x4] =	wrdreg $0xC0  }
0xab: {  	_ =	task [dreg:s7], $0x5FFFF  }
0xac: {  	[dreg:$0x1] =	wrdreg $0xFFFFFFFF  }
0xad: {  	[dreg:$0x0] =	wrdreg $0x60  }
0xae: {  	[dreg:$0x2] =	wrdreg s2  }
0xaf: {  	[dreg:$0x3] =	wrdreg s24  }
0xb0: {  	[dreg:$0x4] =	wrdreg $0x9  }
0xb1: {  	_ =	task.clear_ibuf [dreg:s7], $0x5FFFF;
	_ =	strace $0x90000046  }
0xb2: {  	s29 =	simm.s32 $0x9;
	_ =	strace $0x80000048  }
0xb3: {  	_ =	swait.ge [sflag:s29], $0x1  }
0xb4: {  	[sflag:s29] =	ssyncadd.s32 $0xFFFFFFFF  }
0xb5: {  	_ =	strace $0x90000048  }
0xb6: {  	_ =	sfence  }
0xb7: {  	s30 =	sld [smem:$0x0];
	_ =	sdelay $0x2  }
0xb8: {  	s31 =	sshll.u32 s1, $0xD;
	s1 =	sshrl.u32 s1, $0x2  }
0xb9: {  	s3 =	sand.u32 $0x4000, s31;
	s1 =	sadd.s32 s1, s30  }
0xba: {  	s0 =	sor.u32 s3, s0;
	s1 =	sshll.u32 s1, $0x11  }
0xbb: {  	s0 =	sor.u32 s1, s0  }
0xbc: {  	s0 =	sadd.s32 $0x8F2B, s0  }
0xbd: {  	[sflag:s0] =	ssyncadd.remote.s32 $0x1  }
0xbe: {  	_ =	sfence.sel $0xFFFF  }
0xbf: {  	[dreg:$0x0] =	wrdreg $0xFFFFFFFF;
	(pc) =	sbr.abs _section_cstart, $3  }
0xc0: {  	[dreg:$0x1] =	wrdreg $0xFFFFFFFF  }
0xc1: {  	_ =	task.clear_ibuf [dreg:s7], $0x2FFFF;
	_ =	strace $0x9FFFFFFF  }
0xc2: {  	(tm) =	ssettm $0x7FFFFFFF  }
0xc3: {  	_ =	shalt  }
tec
execute0_lowered:
.L_overlay_start_1:
0x0: {  	(tag) =	ssettag $0x1  }
0x1: {  	v0 =	vimm.f32 $1.500000000e+01;
	vm0 =	vcmask $0x300  }
0x2: {  	vm14 =	vcmask $0x704;
	v0 =	vsel vm0, $0x0, v0  }
0x3: {  	vm15 =	vcmask $0xB08;
	v0 =	vsel vm14, $0x3F800000, v0  }
0x4: {  	vm4 =	vcmask $0xF0C;
	v0 =	vsel vm15, $0x40000000, v0  }
0x5: {  	vm5 =	vcmask $0x1310;
	v0 =	vsel vm4, $0x40400000, v0  }
0x6: {  	vm6 =	vcmask $0x1714;
	v0 =	vsel vm5, $0x40800000, v0  }
0x7: {  	s4 =	rddreg [dreg:$0x0];
	vm7 =	vcmask $0x1B18;
	v0 =	vsel vm6, $0x40A00000, v0  }
0x8: {  	s5 =	rddreg [dreg:$0x1];
	vm8 =	vcmask $0x1F1C;
	v0 =	vsel vm7, $0x40C00000, v0  }
0x9: {  	s0 =	rddreg [dreg:$0x2];
	vm9 =	vcmask $0x2320;
	v0 =	vsel vm8, $0x40E00000, v0  }
0xa: {  	s1 =	simm.s32 $0x0;
	s3 =	srdreg.scid;
	vm10 =	vcmask $0x2724;
	s2 =	stileid.u32;
	v0 =	vsel vm9, $0x41000000, v0  }
0xb: {  	vm11 =	vcmask $0x2B28;
	s9 =	simm.s32 $0x1080;
	s10 =	simm.s32 $0x0;
	s3 =	sand.u32 $0x1, s3;
	v0 =	vsel vm10, $0x41100000, v0  }
0xc: {  	vm12 =	vcmask $0x2F2C;
	[smem:$0x7FF] =	sst s1;
	s6 =	sshll.u32 s2, $0x9;
	s7 =	sshll.u32 s3, $0x8;
	v0 =	vsel vm11, $0x41200000, v0  }
0xd: {  	vm13 =	vcmask $0x3330;
	_ =	strace $0x80000047;
	s8 =	ssub.s32 $0x2, s3;
	s6 =	sor.u32 s7, s6;
	v0 =	vsel vm12, $0x41300000, v0  }
0xe: {  	s3 =	sadd.s32 $0x200, s5;
	vm14 =	vcmask $0x3734;
	s31 =	sshrl.u32 s8, $0x1;
	s5 =	sadd.s32 s6, s5;
	v0 =	vsel vm13, $0x41400000, v0  }
0xf: {  	vm15 =	vcmask $0x3B38;
	s7 =	ssub.s32 s8, s31;
	s4 =	sadd.s32 s4, s6;
	s8 =	simm.s32 $0x1;
	v0 =	vsel vm14, $0x41500000, v0  }
0x10: {  	s5 =	sadd.s32 $0x400, s5;
	s6 =	smax.u32 s7, $0x1;
	s7 =	simm.s32 $0x1880;
	v43 =	vsel vm15, $0x41600000, v0  }
.LBB2_1:
0x11: {  	[tilespmem:s7], [sflag:$0x1] =	stream.linear.gather [hbm4b:s3+s1], $0x20, $0x38;
	[tilespmem:$0x18A0] =	vst v63  }
0x12: {  	_ =	swait.ge [sflag:s8], $0x20  }
0x13: {  	[sflag:s8] =	ssyncset.done $0x0  }
0x14: {  	v0 =	vimm.s32 $0x1;
	[sflag:s8] =	ssyncadd.s32 $0xFFFFFFE0  }
0x15: {  	[tilespmem:s1], [sflag:$0x1] =	stream.linear.gather [hbm4b:s4+s1], $0x800, $0x38;
	[tilespmem:$0x18A0] =	vst v63  }
0x16: {  	_ =	swait.ge [sflag:s8], $0x800  }
0x17: {  	[sflag:s8] =	ssyncset.done $0x0  }
0x18: {  	[sflag:s8] =	ssyncadd.s32 $0xFFFFF800  }
0x19: {  	v24 =	vld.idx.msk [tilespmem:v0+s7+$0x0], $0xffff;
	v0 =	vimm.s32 $0x2;
	_ =	sdelay $0x4  }
0x1a: {  	v23 =	vld.idx.msk [tilespmem:v0+s7+$0x0], $0xffff;
	v0 =	vimm.s32 $0x3;
	_ =	sdelay $0x4  }
0x1b: {  	v22 =	vld.idx.msk [tilespmem:v0+s7+$0x0], $0xffff;
	v0 =	vimm.s32 $0x4;
	_ =	sdelay $0x4  }
0x1c: {  	v21 =	vld.idx.msk [tilespmem:v0+s7+$0x0], $0xffff;
	v0 =	vimm.s32 $0x5;
	_ =	sdelay $0x4  }
0x1d: {  	v20 =	vld.idx.msk [tilespmem:v0+s7+$0x0], $0xffff;
	v0 =	vimm.s32 $0x6;
	_ =	sdelay $0x4  }
0x1e: {  	v19 =	vld.idx.msk [tilespmem:v0+s7+$0x0], $0xffff;
	v0 =	vimm.s32 $0x7;
	_ =	sdelay $0x4  }
0x1f: {  	v18 =	vld.idx.msk [tilespmem:v0+s7+$0x0], $0xffff;
	v0 =	vimm.s32 $0x8;
	_ =	sdelay $0x4  }
0x20: {  	v17 =	vld.idx.msk [tilespmem:v0+s7+$0x0], $0xffff;
	v0 =	vimm.s32 $0x9;
	_ =	sdelay $0x4  }
0x21: {  	v16 =	vld.idx.msk [tilespmem:v0+s7+$0x0], $0xffff;
	v0 =	vimm.s32 $0xA;
	_ =	sdelay $0x4  }
0x22: {  	v15 =	vld.idx.msk [tilespmem:v0+s7+$0x0], $0xffff;
	v0 =	vimm.s32 $0xB;
	_ =	sdelay $0x4  }
0x23: {  	v14 =	vld.idx.msk [tilespmem:v0+s7+$0x0], $0xffff;
	v0 =	vimm.s32 $0xC;
	_ =	sdelay $0x4  }
0x24: {  	v13 =	vld.idx.msk [tilespmem:v0+s7+$0x0], $0xffff;
	v0 =	vimm.s32 $0xD;
	_ =	sdelay $0x3  }
0x25: {  	v25 =	vimm.s32 $0x1A  }
0x26: {  	v12 =	vld.idx.msk [tilespmem:v0+s7+$0x0], $0xffff;
	v0 =	vimm.s32 $0xE;
	_ =	sdelay $0x3  }
0x27: {  	v51 =	vld.idx.msk [tilespmem:v25+s7+$0x0], $0xffff;
	v25 =	vimm.s32 $0x1B  }
0x28: {  	v11 =	vld.idx.msk [tilespmem:v0+s7+$0x0], $0xffff;
	v0 =	vimm.s32 $0xF;
	_ =	sdelay $0x3  }
0x29: {  	v48 =	vld.idx.msk [tilespmem:v25+s7+$0x0], $0xffff;
	v25 =	vimm.s32 $0x1C  }
0x2a: {  	v10 =	vld.idx.msk [tilespmem:v0+s7+$0x0], $0xffff;
	v0 =	vimm.s32 $0x10;
	_ =	sdelay $0x3  }
0x2b: {  	v49 =	vld.idx.msk [tilespmem:v25+s7+$0x0], $0xffff;
	v25 =	vimm.s32 $0x1D  }
0x2c: {  	v9 =	vld.idx.msk [tilespmem:v0+s7+$0x0], $0xffff;
	v0 =	vimm.s32 $0x11;
	_ =	sdelay $0x2  }
0x2d: {  	v1 =	vimm.s32 $0x15  }
0x2e: {  	v25 =	vld.idx.msk [tilespmem:v25+s7+$0x0], $0xffff  }
0x2f: {  	v8 =	vld.idx.msk [tilespmem:v0+s7+$0x0], $0xffff;
	v0 =	vimm.s32 $0x12;
	_ =	sdelay $0x2  }
0x30: {  	v5 =	vld.idx.msk [tilespmem:v1+s7+$0x0], $0xffff;
	v1 =	vimm.s32 $0x16  }
0x31: {  	[tilespmem:$0x1FFE0] =	vst v25;
	v25 =	vimm.s32 $0x1E  }
0x32: {  	v7 =	vld.idx.msk [tilespmem:v0+s7+$0x0], $0xffff;
	v0 =	vimm.s32 $0x13;
	_ =	sdelay $0x1  }
0x33: {  	v2 =	vimm.s32 $0x18  }
0x34: {  	v3 =	vimm.s32 $0x19;
	v4 =	vld.idx.msk [tilespmem:v1+s7+$0x0], $0xffff  }
0x35: {  	v1 =	vimm.s32 $0x17;
	v25 =	vld.idx.msk [tilespmem:v25+s7+$0x0], $0xffff  }
0x36: {  	v6 =	vld.idx.msk [tilespmem:v0+s7+$0x0], $0xffff;
	v0 =	vimm.s32 $0x14;
	_ =	sdelay $0x1  }
0x37: {  	v2 =	vld.idx.msk [tilespmem:v2+s7+$0x0], $0xffff  }
0x38: {  	v3 =	vld.idx.msk [tilespmem:v3+s7+$0x0], $0xffff  }
0x39: {  	v1 =	vld.idx.msk [tilespmem:v1+s7+$0x0], $0xffff;
	[tilespmem:$0x1FFF0] =	vst v25;
	v25 =	vimm.f32 $0.0e+00  }
0x3a: {  	v0 =	vld.idx.msk [tilespmem:v0+s7+$0x0], $0xffff;
	[tilespmem:$0x800] =	vst v25  }
0x3b: {  	[tilespmem:$0x900] =	vst v25  }
0x3c: {  	[tilespmem:$0x910] =	vst v25  }
0x3d: {  	[tilespmem:$0xA10] =	vst v25  }
0x3e: {  	[tilespmem:$0xA20] =	vst v25  }
0x3f: {  	[tilespmem:$0xB20] =	vst v25  }
0x40: {  	[tilespmem:$0xB30] =	vst v25  }
0x41: {  	[tilespmem:$0xC30] =	vst v25  }
0x42: {  	[tilespmem:$0xC40] =	vst v25  }
0x43: {  	[tilespmem:$0xD40] =	vst v25  }
0x44: {  	[tilespmem:$0xD50] =	vst v25  }
0x45: {  	[tilespmem:$0xE50] =	vst v25  }
0x46: {  	[tilespmem:$0xE60] =	vst v25  }
0x47: {  	s15 =	sand.u32 $0xC0, s1;
	s11 =	simm.s32 $0x0;
	[tilespmem:$0xF60] =	vst v25  }
0x48: {  	s11 =	sand.u32 $0x3FFFFF00, s11;
	s14 =	sor.u32 $0x30, s15;
	[tilespmem:$0xF70] =	vst v25  }
0x49: {  	s12 =	sor.u32 s14, s11;
	[tilespmem:$0x1070] =	vst v25  }
0x4a: {  	s17 =	sor.u32 $0x10, s15;
	s13 =	sor.u32 s15, s11;
	v25 =	vld [tilespmem:s12+$0x0]  }
0x4b: {  	s19 =	sor.u32 $0x20, s15;
	s24 =	sor.u32 s17, s11;
	v26 =	vld [tilespmem:s13+$0x0]  }
0x4c: {  	s11 =	sor.u32 s19, s11;
	v37 =	vld [tilespmem:s24+$0x0]  }
0x4d: {  	v38 =	vld [tilespmem:s11+$0x0];
	_ =	sdelay $0x2  }
0x4e: {  	s25 =	simm.s32 $0x0  }
0x4f: {  	s16 =	simm.s32 $0x40;
	s26 =	smul.u32 $0x440, s25;
	v39 =	vshrl.u32 v25, $0x10;
	v40 =	vshrl.u32 v26, $0x10  }
0x50: {  	s28 =	simm.s32 $0x40;
	s11 =	sand.u32 $0xC0, s16;
	v41 =	vshrl.u32 v37, $0x10;
	v62 =	vshrl.u32 v38, $0x10;
	v39 =	vand.u32 $0x1, v39  }
0x51: {  	s18 =	sand.u32 $0x3FFFFF00, s28;
	s12 =	sshra.s32 s26, $0x2;
	s13 =	sor.u32 $0x30, s11;
	v40 =	vand.u32 $0x1, v40;
	v61 =	vand.u32 $0x1, v41;
	v25 =	vadd.s32 v39, v25  }
0x52: {  	s21 =	sadd.s32 $0x808, s12;
	s20 =	sor.u32 s13, s18;
	v26 =	vadd.s32 v40, v26;
	v39 =	vadd.s32 v61, v37;
	v25 =	vadd.s32 $0x7FFF, v25  }
0x53: {  	s12 =	sor.u32 $0x10, s11;
	s22 =	sor.u32 s11, s18;
	s29 =	sadd.s32 s14, s21;
	v37 =	vld [tilespmem:s20+$0x0];
	v40 =	vand.u32 $0x1, v62;
	v63 =	vadd.s32 $0x7FFF, v26;
	v25 =	vand.u32 $0xFFFF0000, v25  }
0x54: {  	s14 =	sor.u32 $0x20, s11;
	s30 =	sor.u32 s12, s18;
	s15 =	sadd.s32 s15, s21;
	v40 =	vadd.s32 v40, v38;
	v26 =	vld [tilespmem:s22+$0x0];
	v39 =	vadd.s32 $0x7FFF, v39;
	[tilespmem:s29+$0x0] =	vst v25;
	v25 =	vand.u32 $0xFFFF0000, v63  }
0x55: {  	s17 =	sadd.s32 s17, s21;
	s31 =	sor.u32 s14, s18;
	v38 =	vld [tilespmem:s30+$0x0];
	v39 =	vand.u32 $0xFFFF0000, v39;
	[tilespmem:s15+$0x0] =	vst v25;
	v25 =	vadd.s32 $0x7FFF, v40  }
0x56: {  	s18 =	simm.s32 $0x4;
	[tilespmem:s17+$0x0] =	vst v39;
	v39 =	vld [tilespmem:s31+$0x0];
	s17 =	simm.s32 $0x0;
	s15 =	sadd.s32 s19, s21;
	v25 =	vand.u32 $0xFFFF0000, v25  }
.LBB2_2:
0x57: {  	s18 =	sadd.s32 $0x4, s18  }
0x58: {  	s17 =	smul.u32 $0x440, s17;
	v40 =	vshrl.u32 v37, $0x10;
	s16 =	sadd.s32 $0x40, s16;
	[tilespmem:s15+$0x0] =	vst v25;
	s15 =	sshll.u32 s18, $0x4  }
0x59: {  	s19 =	sand.u32 $0xC0, s16;
	p0 =	slt.u32 s18, $0x7C;
	v25 =	vshrl.u32 v26, $0x10;
	v40 =	vand.u32 $0x1, v40;
	s15 =	sand.u32 $0x3FFFFF00, s15  }
0x5a: {  	s20 =	sor.u32 $0x30, s19;
	v25 =	vand.u32 $0x1, v25;
	s17 =	sshra.s32 s17, $0x2;
	v41 =	vshrl.u32 v38, $0x10;
	v37 =	vadd.s32 v40, v37;
	s21 =	sor.u32 $0x10, s19  }
0x5b: {  	s24 =	sor.u32 $0x20, s19;
	s22 =	sor.u32 s20, s15;
	s17 =	sadd.s32 $0x808, s17;
	v40 =	vand.u32 $0x1, v41;
	v41 =	vshrl.u32 v39, $0x10;
	v42 =	vadd.s32 $0x7FFF, v37  }
.Ltmp0:
0x5c: {  	s23 =	sor.u32 s19, s15;
	v25 =	vadd.s32 v25, v26;
	v37 =	vld [tilespmem:s22+$0x0];
	v41 =	vand.u32 $0x1, v41;
	v42 =	vand.u32 $0xFFFF0000, v42;
	s13 =	sadd.s32 s13, s17;
	(pc) =	sbr.rel @p0 .LBB2_2-.Ltmp0, $4  }
0x5d: {  	s22 =	sor.u32 s21, s15;
	v25 =	vadd.s32 $0x7FFF, v25;
	s25 =	sadd.s32 s11, s17;
	v40 =	vadd.s32 v40, v38;
	v26 =	vld [tilespmem:s23+$0x0];
	s23 =	sor.u32 s24, s15;
	v39 =	vadd.s32 v41, v39;
	[tilespmem:s13+$0x0] =	vst v42  }
0x5e: {  	s11 =	smov.u32 s19;
	v25 =	vand.u32 $0xFFFF0000, v25;
	v40 =	vadd.s32 $0x7FFF, v40;
	s15 =	sadd.s32 s14, s17;
	v38 =	vld [tilespmem:s22+$0x0];
	s22 =	sadd.s32 s12, s17;
	v41 =	vadd.s32 $0x7FFF, v39  }
0x5f: {  	s13 =	smov.u32 s20;
	s14 =	smov.u32 s24;
	v40 =	vand.u32 $0xFFFF0000, v40;
	s12 =	smov.u32 s21;
	v39 =	vld [tilespmem:s23+$0x0];
	[tilespmem:s25+$0x0] =	vst v25;
	v25 =	vand.u32 $0xFFFF0000, v41  }
0x60: {  	s17 =	sshrl.u32 s18, $0x4;
	[tilespmem:s22+$0x0] =	vst v40  }
0x61: {  	v40 =	vshrl.u32 v37, $0x10  }
0x62: {  	v50 =	vshrl.u32 v24, $0x10;
	v56 =	vshrl.u32 v23, $0x10;
	v59 =	vshrl.u32 v22, $0x10  }
0x63: {  	v62 =	vshrl.u32 v21, $0x10;
	v29 =	vshrl.u32 v20, $0x10;
	v32 =	vshrl.u32 v19, $0x10  }
0x64: {  	v53 =	vshrl.u32 v15, $0x10;
	v41 =	vshrl.u32 v26, $0x10;
	v40 =	vand.u32 $0x1, v40  }
0x65: {  	v58 =	vand.u32 $0x1, v56;
	v63 =	vand.u32 $0x1, v62;
	v31 =	vand.u32 $0x1, v29  }
0x66: {  	v56 =	vand.u32 $0x1, v53;
	v41 =	vand.u32 $0x1, v41;
	v42 =	vshrl.u32 v38, $0x10  }
0x67: {  	v33 =	vadd.s32 v40, v37;
	v60 =	vadd.s32 v58, v23;
	v30 =	vadd.s32 v63, v21  }
0x68: {  	v15 =	vadd.s32 v56, v15;
	v34 =	vand.u32 $0x1, v42;
	v35 =	vshrl.u32 v39, $0x10  }
0x69: {  	v37 =	vadd.s32 $0x7FFF, v33;
	v44 =	vadd.s32 v41, v26;
	v23 =	vadd.s32 $0x7FFF, v60  }
0x6a: {  	v21 =	vadd.s32 $0x7FFF, v30;
	v33 =	vadd.s32 v31, v20;
	v41 =	vshrl.u32 v17, $0x10  }
0x6b: {  	v15 =	vadd.s32 $0x7FFF, v15;
	v45 =	vand.u32 $0x1, v35;
	v52 =	vand.u32 $0xFFFF0000, v37  }
0x6c: {  	v26 =	vadd.s32 $0x7FFF, v44;
	v46 =	vadd.s32 v34, v38;
	v27 =	vand.u32 $0xFFFF0000, v23  }
0x6d: {  	v34 =	vand.u32 $0x1, v32;
	v30 =	vand.u32 $0xFFFF0000, v21;
	v20 =	vadd.s32 $0x7FFF, v33  }
0x6e: {  	v44 =	vand.u32 $0x1, v41;
	v47 =	vadd.s32 v45, v39;
	v26 =	vand.u32 $0xFFFF0000, v26  }
0x6f: {  	v37 =	vadd.s32 $0x7FFF, v46;
	v35 =	vadd.s32 v34, v19;
	v36 =	vand.u32 $0xFFFF0000, v20  }
0x70: {  	v39 =	vshrl.u32 v18, $0x10;
	v45 =	vshrl.u32 v16, $0x10;
	v46 =	vadd.s32 v44, v17  }
0x71: {  	v34 =	vand.u32 $0xFFFF0000, v15;
	v38 =	vadd.s32 $0x7FFF, v47;
	v54 =	vand.u32 $0xFFFF0000, v37  }
0x72: {  	v37 =	vand.u32 $0x1, v50;
	v19 =	vadd.s32 $0x7FFF, v35;
	v40 =	vand.u32 $0x1, v39  }
0x73: {  	v47 =	vand.u32 $0x1, v45;
	v17 =	vadd.s32 $0x7FFF, v46;
	v55 =	vand.u32 $0xFFFF0000, v38  }
0x74: {  	v57 =	vadd.s32 v37, v24;
	v38 =	vand.u32 $0x1, v59;
	v23 =	vand.u32 $0xFFFF0000, v19  }
0x75: {  	v42 =	vadd.s32 v40, v18;
	v50 =	vadd.s32 v47, v16;
	v32 =	vand.u32 $0xFFFF0000, v17  }
0x76: {  	v59 =	vshrl.u32 v13, $0x10;
	v24 =	vadd.s32 $0x7FFF, v57;
	v57 =	vshrl.u32 v14, $0x10  }
0x77: {  	v61 =	vadd.s32 v38, v22;
	v18 =	vadd.s32 $0x7FFF, v42;
	v58 =	vand.u32 $0x1, v57  }
0x78: {  	v16 =	vadd.s32 $0x7FFF, v50;
	v60 =	vand.u32 $0x1, v59;
	v14 =	vadd.s32 v58, v14  }
0x79: {  	v24 =	vand.u32 $0xFFFF0000, v24;
	v13 =	vadd.s32 v60, v13;
	v14 =	vadd.s32 $0x7FFF, v14  }
0x7a: {  	v13 =	vadd.s32 $0x7FFF, v13;
	v35 =	vand.u32 $0xFFFF0000, v14;
	v14 =	vshrl.u32 v12, $0x10  }
0x7b: {  	v38 =	vand.u32 $0xFFFF0000, v13;
	v13 =	vand.u32 $0x1, v14;
	v14 =	vshrl.u32 v11, $0x10  }
0x7c: {  	v12 =	vadd.s32 v13, v12;
	v13 =	vand.u32 $0x1, v14;
	v14 =	vshrl.u32 v10, $0x10  }
0x7d: {  	v22 =	vadd.s32 $0x7FFF, v61;
	v11 =	vadd.s32 v13, v11;
	v13 =	vand.u32 $0x1, v14  }
0x7e: {  	v28 =	vand.u32 $0xFFFF0000, v22;
	v11 =	vadd.s32 $0x7FFF, v11;
	v10 =	vadd.s32 v13, v10  }
0x7f: {  	v44 =	vand.u32 $0xFFFF0000, v11;
	v10 =	vadd.s32 $0x7FFF, v10;
	v11 =	vshrl.u32 v9, $0x10  }
0x80: {  	s16 =	smul.u32 $0x440, s17;
	v12 =	vadd.s32 $0x7FFF, v12;
	v45 =	vand.u32 $0xFFFF0000, v10;
	v10 =	vand.u32 $0x1, v11  }
0x81: {  	v39 =	vand.u32 $0xFFFF0000, v12;
	v11 =	vshrl.u32 v8, $0x10;
	v9 =	vadd.s32 v10, v9  }
0x82: {  	s16 =	sshra.s32 s16, $0x2;
	v10 =	vand.u32 $0x1, v11;
	v11 =	vshrl.u32 v7, $0x10;
	v9 =	vadd.s32 $0x7FFF, v9  }
0x83: {  	s18 =	simm.s32 $0x0;
	s16 =	sadd.s32 $0x808, s16;
	v8 =	vadd.s32 v10, v8;
	v10 =	vand.u32 $0x1, v11;
	v46 =	vand.u32 $0xFFFF0000, v9  }
0x84: {  	[tilespmem:s15+$0x0] =	vst v25;
	s19 =	smul.u32 $0x440, s18;
	s13 =	sadd.s32 s13, s16;
	v8 =	vadd.s32 $0x7FFF, v8;
	v7 =	vadd.s32 v10, v7;
	v9 =	vshrl.u32 v1, $0x10  }
0x85: {  	s20 =	sadd.s32 s11, s16;
	s11 =	simm.s32 $0x0;
	[tilespmem:s13+$0x0] =	vst v52;
	v10 =	vshrl.u32 v2, $0x10;
	v47 =	vand.u32 $0xFFFF0000, v8;
	v7 =	vadd.s32 $0x7FFF, v7  }
0x86: {  	s15 =	sshra.s32 s19, $0x2;
	s12 =	sadd.s32 s12, s16;
	s21 =	sand.u32 $0xC0, s11;
	[tilespmem:s20+$0x0] =	vst v26;
	v8 =	vshrl.u32 v6, $0x10;
	v9 =	vand.u32 $0x1, v9;
	v10 =	vand.u32 $0x1, v10  }
0x87: {  	s16 =	sadd.s32 s14, s16;
	s22 =	sadd.s32 $0x808, s15;
	s23 =	sor.u32 $0x30, s21;
	[tilespmem:s12+$0x0] =	vst v54;
	v50 =	vand.u32 $0xFFFF0000, v7;
	v7 =	vand.u32 $0x1, v8;
	v8 =	vshrl.u32 v5, $0x10  }
0x88: {  	s15 =	sadd.s32 s23, s22;
	[tilespmem:s16+$0x0] =	vst v55;
	v1 =	vadd.s32 v9, v1;
	v2 =	vadd.s32 v10, v2;
	v6 =	vadd.s32 v7, v6  }
0x89: {  	v11 =	vld [tilespmem:s15+$0xFFFFFFFE];
	v7 =	vand.u32 $0x1, v8;
	v8 =	vshrl.u32 v4, $0x10;
	v1 =	vadd.s32 $0x7FFF, v1  }
0x8a: {  	v2 =	vadd.s32 $0x7FFF, v2;
	v6 =	vadd.s32 $0x7FFF, v6;
	v5 =	vadd.s32 v7, v5  }
0x8b: {  	v7 =	vand.u32 $0x1, v8;
	v8 =	vld [tilespmem:s15+$0x2];
	v55 =	vand.u32 $0xFFFF0000, v1;
	v56 =	vand.u32 $0xFFFF0000, v2  }
0x8c: {  	v52 =	vand.u32 $0xFFFF0000, v6;
	v5 =	vadd.s32 $0x7FFF, v5;
	v4 =	vadd.s32 v7, v4;
	v6 =	vld [tilespmem:s15+$0x1]  }
0x8d: {  	v7 =	vld [tilespmem:s15+$0x0];
	v53 =	vand.u32 $0xFFFF0000, v5;
	v4 =	vadd.s32 $0x7FFF, v4;
	v5 =	vshrl.u32 v3, $0x10  }
0x8e: {  	v13 =	vmul.f32 v35, v11;
	v5 =	vand.u32 $0x1, v5;
	v57 =	vand.u32 $0xFFFF0000, v4  }
0x8f: {  	v4 =	vshrl.u32 v0, $0x10;
	v9 =	vmul.f32 v53, v11;
	v3 =	vadd.s32 v5, v3;
	v5 =	vld [tilespmem:s15+$0xFFFFFFFF]  }
0x90: {  	v4 =	vand.u32 $0x1, v4;
	v3 =	vadd.s32 $0x7FFF, v3;
	v12 =	vmul.f32 v36, v8  }
0x91: {  	v0 =	vadd.s32 v4, v0;
	v4 =	vmul.f32 v24, v11;
	v54 =	vand.u32 $0xFFFF0000, v3  }
0x92: {  	v3 =	vmul.f32 v56, v6;
	v2 =	vmul.f32 v55, v7;
	v0 =	vadd.s32 $0x7FFF, v0  }
0x93: {  	v15 =	vmul.f32 v28, v7;
	v58 =	vand.u32 $0xFFFF0000, v0;
	v0 =	vmul.f32 v30, v6  }
0x94: {  	v29 =	vand.u32 $0xFFFF0000, v18;
	v10 =	vmul.f32 v57, v5;
	v14 =	vmul.f32 v27, v5  }
0x95: {  	v33 =	vand.u32 $0xFFFF0000, v16;
	v61 =	vmul.f32 v38, v5;
	v62 =	vmul.f32 v29, v5  }
0x96: {  	v5 =	vmul.f32 v47, v5;
	v4 =	vadd.f32 v14, v4;
	v14 =	vmul.f32 v23, v11  }
0x97: {  	v11 =	vmul.f32 v46, v11;
	v13 =	vadd.f32 v61, v13;
	v9 =	vadd.f32 v10, v9  }
0x98: {  	v4 =	vadd.f32 v15, v4;
	v14 =	vadd.f32 v62, v14;
	v15 =	vmul.f32 v32, v7  }
0x99: {  	v1 =	vmul.f32 v54, v8;
	v5 =	vadd.f32 v5, v11;
	v9 =	vadd.f32 v2, v9  }
0x9a: {  	v10 =	vmul.f32 v33, v6;
	v0 =	vadd.f32 v0, v4;
	v4 =	vadd.f32 v15, v14  }
0x9b: {  	s24 =	sadd.s32 s21, s22;
	v2 =	vld [tilespmem:$0x1FFF0];
	v14 =	vmul.f32 v39, v7;
	v7 =	vmul.f32 v50, v7;
	v3 =	vadd.f32 v3, v9  }
0x9c: {  	v61 =	vld [tilespmem:s24+$0xFFFFFFFE];
	v0 =	vadd.f32 v12, v0;
	v4 =	vadd.f32 v10, v4;
	v10 =	vmul.f32 v34, v8  }
0x9d: {  	s18 =	sor.u32 $0x20, s21;
	v11 =	vadd.f32 v14, v13;
	v12 =	vmul.f32 v44, v6;
	v5 =	vadd.f32 v7, v5  }
0x9e: {  	s12 =	sadd.s32 s18, s22;
	v6 =	vmul.f32 v52, v6;
	v1 =	vadd.f32 v1, v3;
	v0 =	vadd.f32 v0, v51  }
0x9f: {  	v7 =	vmul.f32 v45, v8;
	v13 =	vld [tilespmem:s12+$0xFFFFFFFF];
	v4 =	vadd.f32 v10, v4;
	v10 =	vadd.f32 v12, v11  }
0xa0: {  	s25 =	sor.u32 $0x10, s21;
	v41 =	vld [tilespmem:$0x1FFE0];
	v8 =	vmul.f32 v58, v8;
	v5 =	vadd.f32 v6, v5;
	v1 =	vadd.f32 v1, v2  }
0xa1: {  	s26 =	sadd.s32 s25, s22;
	v63 =	vmul.f32 v23, v61;
	v6 =	vld [tilespmem:s24+$0xFFFFFFFF];
	v0 =	vmin.f32 v0, $2.000000000e+01;
	v4 =	vadd.f32 v4, v48  }
0xa2: {  	v11 =	vld [tilespmem:s26+$0xFFFFFFFF];
	v7 =	vadd.f32 v7, v10;
	v5 =	vadd.f32 v8, v5;
	v1 =	vmin.f32 v1, $2.000000000e+01  }
0xa3: {  	v14 =	vmul.f32 v24, v61;
	v0 =	vadd.f32 v0, v0;
	v1 =	vadd.f32 v1, v1  }
0xa4: {  	v10 =	vld [tilespmem:s26+$0xFFFFFFFE];
	v20 =	vmul.f32 v29, v13;
	v3 =	vadd.f32 v7, v49;
	v4 =	vmin.f32 v4, $2.000000000e+01  }
0xa5: {  	v9 =	vld [tilespmem:s12+$0x0];
	v5 =	vadd.f32 v5, v41;
	v0 =	vmul.f32 $1.442695020e+00, v0;
	v4 =	vadd.f32 v4, v4  }
0xa6: {  	v7 =	vld [tilespmem:s24+$0x0];
	v1 =	vmul.f32 $1.442695020e+00, v1;
	v37 =	vmul.f32 v29, v6;
	v3 =	vmin.f32 v3, $2.000000000e+01  }
0xa7: {  	v12 =	vld [tilespmem:s12+$0xFFFFFFFE];
	v42 =	vmul.f32 v29, v11;
	(erf) = vpow2.f32 v0;
	v0 =	vadd.f32 v3, v3  }
0xa8: {  	v8 =	vld [tilespmem:s26+$0x0];
	[tilespmem:$0x1FE50] =	vst v24;
	v3 =	vmin.f32 v5, $2.000000000e+01;
	v4 =	vmul.f32 $1.442695020e+00, v4;
	v5 =	vmul.f32 v27, v6  }
0xa9: {  	[tilespmem:$0x1FE60] =	vst v27;
	v19 =	vmul.f32 v23, v10;
	v3 =	vadd.f32 v3, v3;
	v0 =	vmul.f32 $1.442695020e+00, v0  }
0xaa: {  	v31 =	vld [tilespmem:s24+$0x1];
	v16 =	vadd.f32 v37, v63;
	(erf) = vpow2.f32 v4;
	v4 =	vmul.f32 v27, v13  }
0xab: {  	v14 =	vadd.f32 v5, v14;
	v5 =	vld [tilespmem:s26+$0x1];
	[tilespmem:$0x1FE70] =	vst v28;
	v62 =	vmul.f32 v32, v7;
	v3 =	vmul.f32 $1.442695020e+00, v3  }
0xac: {  	v59 =	vld [tilespmem:s12+$0x1];
	[tilespmem:$0x1FE90] =	vst v29;
	v29 =	vmul.f32 v46, v61;
	(erf) = vpow2.f32 v0  }
0xad: {  	v0 =	vmul.f32 v24, v10;
	v16 =	vadd.f32 v62, v16;
	v62 =	vmul.f32 v47, v6  }
0xae: {  	(erf) = vpow2.f32 v3;
	v3 =	vmul.f32 v27, v11  }
0xaf: {  	v42 =	vadd.f32 v42, v19;
	(erf) = vpow2.f32 v1;
	v1 =	vmul.f32 v24, v12  }
0xb0: {  	v25 =	vmul.f32 v30, v31;
	v15 =	vadd.f32 v3, v0;
	v0 =	vmul.f32 v28, v7  }
0xb1: {  	[tilespmem:$0x1FE80] =	vst v23;
	v29 =	vadd.f32 v62, v29;
	v1 =	vadd.f32 v4, v1;
	v4 =	vmul.f32 v28, v8  }
0xb2: {  	v60 =	vld [tilespmem:s24+$0x2];
	v3 =	vmul.f32 v33, v5;
	v28 =	vmul.f32 v28, v9;
	v18 =	vpop (erf);
	v14 =	vadd.f32 v0, v14  }
0xb3: {  	v62 =	vmul.f32 v52, v59;
	v40 =	vadd.f32 $1.000000000e+00, v18;
	v4 =	vadd.f32 v4, v15  }
0xb4: {  	v15 =	vmul.f32 v23, v12;
	v22 =	vadd.f32 v28, v1;
	v28 =	vmul.f32 v30, v5;
	v23 =	vpop (erf)  }
0xb5: {  	v18 =	vadd.f32 $-1.000000000e+00, v18;
	(erf) = vrcp.f32 v40;
	v1 =	vadd.f32 $1.000000000e+00, v23  }
0xb6: {  	v15 =	vadd.f32 v20, v15;
	v20 =	vadd.f32 v25, v14;
	v14 =	vmul.f32 v32, v8  }
0xb7: {  	v21 =	vadd.f32 v28, v4;
	v25 =	vmul.f32 v36, v60;
	v23 =	vadd.f32 $-1.000000000e+00, v23;
	v24 =	vpop (erf)  }
0xb8: {  	v28 =	vmul.f32 v33, v31;
	v37 =	vadd.f32 $1.000000000e+00, v24;
	v17 =	vadd.f32 v14, v42  }
0xb9: {  	v26 =	vpop (erf);
	(erf) = vrcp.f32 v1;
	v24 =	vadd.f32 $-1.000000000e+00, v24;
	v20 =	vadd.f32 v25, v20  }
0xba: {  	[tilespmem:$0x1FEA0] =	vst v30;
	v25 =	vmul.f32 v35, v10;
	v16 =	vadd.f32 v28, v16;
	v63 =	vadd.f32 $1.000000000e+00, v26  }
0xbb: {  	v4 =	vld [tilespmem:s26+$0x2];
	v27 =	vpop (erf);
	v26 =	vadd.f32 $-1.000000000e+00, v26;
	(erf) = vrcp.f32 v37;
	v20 =	vadd.f32 v20, v51  }
0xbc: {  	v40 =	vadd.f32 $1.000000000e+00, v27;
	v37 =	vmul.f32 v30, v59;
	v30 =	vmul.f32 v46, v10  }
0xbd: {  	v10 =	vmul.f32 v53, v10;
	(erf) = vrcp.f32 v63;
	v20 =	vmin.f32 v20, $2.000000000e+01  }
0xbe: {  	(erf) = vrcp.f32 v40;
	v40 =	vmul.f32 v32, v9;
	v20 =	vadd.f32 v20, v20  }
0xbf: {  	[tilespmem:$0x1FEB0] =	vst v32;
	v19 =	vadd.f32 v37, v22;
	v22 =	vmul.f32 v35, v61;
	v32 =	vmul.f32 v56, v59  }
0xc0: {  	v15 =	vadd.f32 v40, v15;
	v40 =	vmul.f32 v36, v4;
	v14 =	vpop (erf);
	v20 =	vmul.f32 $1.442695020e+00, v20  }
0xc1: {  	v27 =	vadd.f32 $-1.000000000e+00, v27;
	v14 =	vmul.f32 v14, v18;
	v18 =	vmul.f32 v38, v6  }
0xc2: {  	s28 =	scvt.s32.f32 s23;
	v21 =	vadd.f32 v40, v21;
	v40 =	vmul.f32 v35, v12;
	v6 =	vmul.f32 v57, v6  }
0xc3: {  	v3 =	vadd.f32 v3, v17;
	v42 =	vpop (erf);
	(erf) = vpow2.f32 v20;
	v2 =	vmul.f32 $5.000000000e+00, v14  }
0xc4: {  	v37 =	vadd.f32 s28, v43;
	v23 =	vmul.f32 v42, v23;
	v14 =	vld [tilespmem:s12+$0x2];
	[tilespmem:$0x1FF00] =	vst v46;
	v46 =	vmul.f32 v46, v12  }
0xc5: {  	[tilespmem:$0x1FEE0] =	vst v35;
	v18 =	vadd.f32 v18, v22;
	v35 =	vmul.f32 v34, v4;
	v12 =	vmul.f32 v53, v12;
	v1 =	vpop (erf)  }
0xc6: {  	v21 =	vadd.f32 v21, v51;
	v0 =	vpop (erf);
	v23 =	vmul.f32 $5.000000000e+00, v23;
	v1 =	vmul.f32 v1, v24  }
0xc7: {  	v2 =	vadd.f32 v2, v37;
	v3 =	vadd.f32 v35, v3;
	v42 =	vpop (erf);
	v0 =	vmul.f32 v0, v26  }
0xc8: {  	v21 =	vmin.f32 v21, $2.000000000e+01;
	v26 =	vmul.f32 v38, v11;
	v24 =	vmul.f32 v42, v27  }
0xc9: {  	[tilespmem:$0x1FEF0] =	vst v38;
	v21 =	vadd.f32 v21, v21;
	v1 =	vmul.f32 $5.000000000e+00, v1;
	v42 =	vmul.f32 v38, v13  }
0xca: {  	[tilespmem:$0x1FF50] =	vst v53;
	v23 =	vadd.f32 v23, v37;
	v38 =	vmul.f32 v53, v61;
	v53 =	vmul.f32 v52, v31  }
0xcb: {  	v61 =	vmul.f32 v44, v59;
	v2 =	vadd.f32 $-2.000000000e+00, v2;
	v0 =	vmul.f32 $5.000000000e+00, v0  }
0xcc: {  	[tilespmem:$0x1FEC0] =	vst v36;
	v3 =	vadd.f32 v3, v48;
	v63 =	vmul.f32 v36, v14;
	v36 =	vmul.f32 v33, v59  }
0xcd: {  	[tilespmem:$0x1FED0] =	vst v33;
	v25 =	vadd.f32 v26, v25;
	v33 =	vmul.f32 v39, v7;
	v21 =	vmul.f32 $1.442695020e+00, v21  }
0xce: {  	v24 =	vmul.f32 $5.000000000e+00, v24;
	v1 =	vadd.f32 v1, v37;
	v17 =	vadd.f32 v42, v40  }
0xcf: {  	v40 =	vmul.f32 v39, v8;
	v42 =	vmul.f32 v50, v8;
	v6 =	vadd.f32 v6, v38  }
0xd0: {  	v8 =	vmul.f32 v55, v8;
	v2 =	vadd.f32 $7.000000000e+00, v2;
	v0 =	vadd.f32 v0, v37  }
0xd1: {  	v3 =	vmin.f32 v3, $2.000000000e+01;
	v19 =	vadd.f32 v63, v19;
	v15 =	vadd.f32 v36, v15  }
0xd2: {  	v63 =	vmul.f32 v34, v60;
	v36 =	vmul.f32 v34, v14;
	v18 =	vadd.f32 v33, v18  }
0xd3: {  	v33 =	vmul.f32 v54, v60;
	v3 =	vadd.f32 v3, v3;
	(erf) = vpow2.f32 v21  }
0xd4: {  	[tilespmem:$0x1FF10] =	vst v47;
	v24 =	vadd.f32 v24, v37;
	v37 =	vmul.f32 v47, v11;
	v47 =	vmul.f32 v47, v13  }
0xd5: {  	v25 =	vadd.f32 v40, v25;
	v11 =	vmul.f32 v57, v11;
	v13 =	vmul.f32 v57, v13  }
0xd6: {  	[tilespmem:$0x1FF60] =	vst v57;
	v57 =	vmul.f32 v52, v5;
	v2 =	vtrunc.f32 v2;
	v1 =	vadd.f32 $7.000000000e+00, v1  }
0xd7: {  	v16 =	vadd.f32 v63, v16;
	v15 =	vadd.f32 v36, v15;
	v2 =	vcvt.f32.s32 v2  }
0xd8: {  	v0 =	vadd.f32 $1.000000000e+00, v0;
	v3 =	vmul.f32 $1.442695020e+00, v3;
	v28 =	vadd.f32 v37, v30  }
0xd9: {  	v27 =	vadd.f32 v47, v46;
	v37 =	vmul.f32 v50, v7;
	v46 =	vmul.f32 v39, v9  }
0xda: {  	[tilespmem:$0x1FF40] =	vst v50;
	v19 =	vadd.f32 v19, v51;
	v47 =	vmul.f32 v50, v9;
	v50 =	vmul.f32 v44, v31  }
0xdb: {  	v10 =	vadd.f32 v11, v10;
	v11 =	vmul.f32 v44, v5;
	v7 =	vmul.f32 v55, v7  }
0xdc: {  	v12 =	vadd.f32 v13, v12;
	v9 =	vmul.f32 v55, v9;
	v30 =	vmul.f32 v58, v14  }
0xdd: {  	v5 =	vmul.f32 v56, v5;
	v0 =	vadd.f32 $7.000000000e+00, v0;
	v16 =	vadd.f32 v16, v48  }
0xde: {  	v1 =	vtrunc.f32 v1;
	v15 =	vadd.f32 v15, v48;
	v22 =	vadd.f32 v37, v29  }
0xdf: {  	v2 =	vadd.s32 $0xF9, v2;
	v28 =	vadd.f32 v42, v28;
	v17 =	vadd.f32 v46, v17  }
0xe0: {  	v1 =	vcvt.f32.s32 v1;
	v27 =	vadd.f32 v47, v27;
	v13 =	vadd.f32 v50, v18  }
0xe1: {  	v19 =	vmin.f32 v19, $2.000000000e+01;
	v11 =	vadd.f32 v11, v25;
	v6 =	vadd.f32 v7, v6  }
0xe2: {  	v7 =	vmul.f32 v45, v60;
	v8 =	vadd.f32 v8, v10;
	v10 =	vmul.f32 v58, v60  }
0xe3: {  	v9 =	vadd.f32 v9, v12;
	v12 =	vmul.f32 v45, v4;
	v29 =	vmul.f32 v56, v31  }
0xe4: {  	s12 =	simm.s32 $0x0;
	v31 =	vadd.f32 $2.000000000e+00, v24;
	v2 =	vand.u32 $0xFF, v2;
	v19 =	vadd.f32 v19, v19  }
0xe5: {  	v2 =	vor.u32 s12, v2;
	v0 =	vtrunc.f32 v0;
	v22 =	vadd.f32 v53, v22  }
0xe6: {  	v16 =	vmin.f32 v16, $2.000000000e+01;
	v18 =	vadd.f32 v57, v28;
	v17 =	vadd.f32 v61, v17  }
0xe7: {  	v15 =	vmin.f32 v15, $2.000000000e+01;
	v63 =	vadd.f32 v62, v27;
	v7 =	vadd.f32 v7, v13  }
0xe8: {  	v1 =	vadd.s32 $0xF9, v1;
	v11 =	vadd.f32 v12, v11;
	v28 =	vadd.f32 $-1.000000000e+00, v23  }
0xe9: {  	v13 =	vmul.f32 v58, v4;
	v6 =	vadd.f32 v29, v6;
	v5 =	vadd.f32 v5, v8  }
0xea: {  	s29 =	scvt.s32.f32 s21;
	s31 =	scvt.s32.f32 s18;
	v4 =	vmul.f32 v54, v4;
	v9 =	vadd.f32 v32, v9;
	v16 =	vadd.f32 v16, v16  }
0xeb: {  	v19 =	vmul.f32 $1.442695020e+00, v19;
	v15 =	vadd.f32 v15, v15;
	v0 =	vcvt.f32.s32 v0  }
0xec: {  	[tilespmem:$0x1FFB0] =	vst v58;
	v1 =	vand.u32 $0xFF, v1;
	v57 =	vadd.f32 s29, v43;
	v58 =	vadd.f32 s31, v43  }
0xed: {  	v1 =	vor.u32 s12, v1;
	v10 =	vadd.f32 v10, v22;
	v12 =	vadd.f32 v13, v18  }
0xee: {  	v13 =	vmul.f32 v45, v14;
	v18 =	vadd.f32 $7.000000000e+00, v28;
	v14 =	vmul.f32 v54, v14  }
0xef: {  	v7 =	vadd.f32 v7, v49;
	v11 =	vadd.f32 v11, v49;
	(erf) = vpow2.f32 v19  }
0xf0: {  	v16 =	vmul.f32 $1.442695020e+00, v16;
	v6 =	vadd.f32 v33, v6;
	v0 =	vadd.s32 $0xF9, v0  }
0xf1: {  	v4 =	vadd.f32 v4, v5;
	v0 =	vand.u32 $0xFF, v0;
	v13 =	vadd.f32 v13, v17  }
0xf2: {  	v17 =	vadd.f32 v30, v63;
	v8 =	vtrunc.f32 v18;
	v18 =	vadd.f32 $7.000000000e+00, v31  }
0xf3: {  	v10 =	vadd.f32 v10, v41;
	v12 =	vadd.f32 v12, v41;
	v5 =	vmin.f32 v7, $2.000000000e+01  }
0xf4: {  	v7 =	vmul.f32 $1.442695020e+00, v15;
	v9 =	vadd.f32 v14, v9;
	v11 =	vmin.f32 v11, $2.000000000e+01  }
0xf5: {  	(erf) = vpow2.f32 v16;
	v0 =	vor.u32 s12, v0;
	v8 =	vcvt.f32.s32 v8  }
0xf6: {  	v15 =	vld [tilespmem:$0x1FFF0];
	v5 =	vadd.f32 v5, v5;
	(erf) = vpow2.f32 v3;
	v3 =	vadd.f32 v11, v11  }
0xf7: {  	[tilespmem:$0x1FF20] =	vst v34;
	v13 =	vadd.f32 v13, v49;
	v17 =	vadd.f32 v17, v41;
	v10 =	vmin.f32 v10, $2.000000000e+01  }
0xf8: {  	[tilespmem:$0x1FF30] =	vst v39;
	v12 =	vmin.f32 v12, $2.000000000e+01;
	(erf) = vpow2.f32 v7;
	v8 =	vadd.s32 $0xF9, v8  }
0xf9: {  	[tilespmem:$0x1FF70] =	vst v44;
	v10 =	vadd.f32 v10, v10;
	v11 =	vadd.f32 v12, v12;
	v5 =	vmul.f32 $1.442695020e+00, v5  }
0xfa: {  	[tilespmem:$0x1FF80] =	vst v52;
	v3 =	vmul.f32 $1.442695020e+00, v3;
	v8 =	vand.u32 $0xFF, v8;
	v13 =	vmin.f32 v13, $2.000000000e+01  }
0xfb: {  	[tilespmem:$0x1FF90] =	vst v55;
	v14 =	vmin.f32 v17, $2.000000000e+01;
	v6 =	vadd.f32 v6, v15;
	v4 =	vadd.f32 v4, v15  }
0xfc: {  	[tilespmem:$0x1FFA0] =	vst v45;
	v9 =	vadd.f32 v9, v15;
	v7 =	vadd.f32 v13, v13;
	v10 =	vmul.f32 $1.442695020e+00, v10  }
0xfd: {  	[tilespmem:$0x1FFC0] =	vst v56;
	v12 =	vadd.f32 v14, v14;
	(erf) = vpow2.f32 v5;
	v6 =	vmin.f32 v6, $2.000000000e+01  }
0xfe: {  	[tilespmem:$0x1FFD0] =	vst v54;
	v5 =	vmin.f32 v9, $2.000000000e+01;
	v9 =	vmul.f32 $1.442695020e+00, v11;
	(erf) = vpow2.f32 v10  }
0xff: {  	v2 =	vld.idx.msk [tilespmem:v2+s1+$0x0], $0xffff;
	v7 =	vmul.f32 $1.442695020e+00, v7;
	v6 =	vadd.f32 v6, v6;
	(erf) = vpow2.f32 v3  }
0x100: {  	v4 =	vmin.f32 v4, $2.000000000e+01;
	v10 =	vmul.f32 $1.442695020e+00, v12;
	(erf) = vpow2.f32 v9  }
0x101: {  	v3 =	vpop (erf);
	v4 =	vadd.f32 v4, v4;
	v6 =	vmul.f32 $1.442695020e+00, v6;
	(erf) = vpow2.f32 v7  }
0x102: {  	v5 =	vadd.f32 v5, v5;
	v7 =	vor.u32 s12, v8;
	v9 =	vpop (erf);
	(erf) = vpow2.f32 v10  }
0x103: {  	v4 =	vmul.f32 $1.442695020e+00, v4;
	v8 =	vpop (erf);
	(erf) = vpow2.f32 v6;
	v6 =	vadd.f32 $1.000000000e+00, v3  }
0x104: {  	v2 =	vadd.f32 $0.0e+00, v2;
	v5 =	vmul.f32 $1.442695020e+00, v5;
	v3 =	vadd.f32 $-1.000000000e+00, v3;
	v10 =	vpop (erf)  }
0x105: {  	(erf) = vpow2.f32 v4;
	v4 =	vadd.f32 $1.000000000e+00, v9;
	v13 =	vadd.f32 $1.000000000e+00, v8;
	v11 =	vpop (erf)  }
0x106: {  	v9 =	vadd.f32 $-1.000000000e+00, v9;
	v12 =	vpop (erf);
	(erf) = vpow2.f32 v5;
	v5 =	vtrunc.f32 v18  }
0x107: {  	v14 =	vadd.f32 $1.000000000e+00, v10;
	(erf) = vrcp.f32 v6;
	v6 =	vpop (erf);
	v5 =	vcvt.f32.s32 v5  }
0x108: {  	v7 =	vld.idx.msk [tilespmem:v7+s1+$0x0], $0xffff;
	(erf) = vrcp.f32 v4;
	v4 =	vadd.f32 $1.000000000e+00, v11;
	v35 =	vadd.f32 $1.000000000e+00, v6  }
0x109: {  	v15 =	vpop (erf);
	v11 =	vadd.f32 $-1.000000000e+00, v11;
	(erf) = vrcp.f32 v13;
	v13 =	vadd.f32 $1.000000000e+00, v12  }
0x10a: {  	v1 =	vld.idx.msk [tilespmem:v1+s1+$0x0], $0xffff;
	v6 =	vadd.f32 $-1.000000000e+00, v6;
	v34 =	vpop (erf);
	v36 =	vadd.f32 $1.000000000e+00, v15;
	v5 =	vadd.s32 $0xF9, v5  }
0x10b: {  	v12 =	vadd.f32 $-1.000000000e+00, v12;
	v15 =	vadd.f32 $-1.000000000e+00, v15;
	(erf) = vrcp.f32 v14;
	v14 =	vpop (erf)  }
0x10c: {  	v0 =	vld.idx.msk [tilespmem:v0+s1+$0x0], $0xffff;
	v37 =	vadd.f32 $1.000000000e+00, v34;
	v5 =	vand.u32 $0xFF, v5;
	(erf) = vrcp.f32 v4;
	v4 =	vpop (erf)  }
0x10d: {  	v16 =	vadd.f32 $-1.000000000e+00, v34;
	v2 =	vadd.f32 v7, v2;
	(erf) = vrcp.f32 v13;
	v13 =	vpop (erf)  }
0x10e: {  	v39 =	vadd.f32 $1.000000000e+00, v14;
	v5 =	vor.u32 s12, v5;
	(erf) = vrcp.f32 v35;
	v38 =	vpop (erf)  }
0x10f: {  	v41 =	vadd.f32 $1.000000000e+00, v4;
	v1 =	vadd.f32 v1, v2;
	(erf) = vrcp.f32 v36;
	v40 =	vpop (erf)  }
0x110: {  	v4 =	vadd.f32 $-1.000000000e+00, v4;
	v44 =	vadd.f32 $1.000000000e+00, v13;
	(erf) = vrcp.f32 v37;
	v42 =	vpop (erf)  }
0x111: {  	v7 =	vadd.f32 $1.000000000e+00, v38;
	v0 =	vadd.f32 v0, v1;
	(erf) = vrcp.f32 v39;
	v45 =	vpop (erf)  }
0x112: {  	v1 =	vadd.f32 $-1.000000000e+00, v8;
	v8 =	vadd.f32 $-1.000000000e+00, v10;
	v46 =	vpop (erf);
	(erf) = vrcp.f32 v41  }
0x113: {  	v47 =	vadd.f32 $1.000000000e+00, v40;
	v5 =	vld.idx.msk [tilespmem:v5+s1+$0x0], $0xffff;
	v3 =	vmul.f32 v45, v3;
	(erf) = vrcp.f32 v44  }
0x114: {  	v2 =	vadd.f32 $1.000000000e+00, v42;
	v50 =	vpop (erf);
	v9 =	vmul.f32 v46, v9;
	(erf) = vrcp.f32 v7  }
0x115: {  	v13 =	vadd.f32 $-1.000000000e+00, v13;
	v7 =	vpop (erf);
	v1 =	vmul.f32 v50, v1;
	v3 =	vmul.f32 $5.000000000e+00, v3  }
0x116: {  	v17 =	vadd.f32 $-1.000000000e+00, v38;
	(erf) = vrcp.f32 v47;
	v7 =	vmul.f32 v7, v8  }
0x117: {  	v18 =	vadd.f32 $-1.000000000e+00, v40;
	v52 =	vpop (erf);
	v9 =	vmul.f32 $5.000000000e+00, v9;
	(erf) = vrcp.f32 v2  }
0x118: {  	v56 =	vadd.f32 v5, v0;
	v2 =	vpop (erf);
	v11 =	vmul.f32 v52, v11;
	v1 =	vmul.f32 $5.000000000e+00, v1  }
0x119: {  	v3 =	vadd.f32 v3, v57;
	v10 =	vpop (erf);
	v2 =	vmul.f32 v2, v12;
	v7 =	vmul.f32 $5.000000000e+00, v7  }
0x11a: {  	v53 =	vpop (erf);
	v6 =	vmul.f32 v10, v6;
	v10 =	vadd.f32 $-1.000000000e+00, v14;
	v11 =	vmul.f32 $5.000000000e+00, v11  }
0x11b: {  	v3 =	vadd.f32 $-2.000000000e+00, v3;
	v1 =	vadd.f32 v1, v58;
	v8 =	vpop (erf);
	v14 =	vmul.f32 v53, v15  }
0x11c: {  	v7 =	vadd.f32 v7, v57;
	v2 =	vmul.f32 $5.000000000e+00, v2;
	v8 =	vmul.f32 v8, v16  }
0x11d: {  	v12 =	vpop (erf);
	v6 =	vmul.f32 $5.000000000e+00, v6;
	v1 =	vadd.f32 $-2.000000000e+00, v1;
	v3 =	vadd.f32 $7.000000000e+00, v3  }
0x11e: {  	v15 =	vpop (erf);
	v10 =	vmul.f32 v12, v10;
	v14 =	vmul.f32 $5.000000000e+00, v14;
	v2 =	vadd.f32 v2, v58  }
0x11f: {  	v7 =	vadd.f32 $-1.000000000e+00, v7;
	v4 =	vmul.f32 v15, v4;
	v15 =	vadd.f32 $-1.000000000e+00, v42  }
0x120: {  	v54 =	vpop (erf);
	v6 =	vadd.f32 v6, v57;
	v8 =	vmul.f32 $5.000000000e+00, v8;
	v1 =	vadd.f32 $7.000000000e+00, v1  }
0x121: {  	v3 =	vtrunc.f32 v3;
	v13 =	vmul.f32 v54, v13;
	v14 =	vadd.f32 v14, v57  }
0x122: {  	v12 =	vpop (erf);
	v10 =	vmul.f32 $5.000000000e+00, v10;
	v2 =	vadd.f32 $-1.000000000e+00, v2;
	v3 =	vcvt.f32.s32 v3  }
0x123: {  	v7 =	vadd.f32 $7.000000000e+00, v7;
	v55 =	vpop (erf);
	v0 =	vmul.f32 v12, v17;
	v4 =	vmul.f32 $5.000000000e+00, v4  }
0x124: {  	v1 =	vtrunc.f32 v1;
	v6 =	vadd.f32 $7.000000000e+00, v6;
	v12 =	vmul.f32 v55, v18  }
0x125: {  	s30 =	scvt.s32.f32 s25;
	v13 =	vmul.f32 $5.000000000e+00, v13;
	v2 =	vadd.f32 $7.000000000e+00, v2;
	v14 =	vadd.f32 $1.000000000e+00, v14  }
0x126: {  	v5 =	vpop (erf);
	v1 =	vcvt.f32.s32 v1;
	v7 =	vtrunc.f32 v7;
	v3 =	vadd.s32 $0xF9, v3  }
0x127: {  	v5 =	vmul.f32 v5, v15;
	v15 =	vadd.f32 s30, v43;
	v0 =	vmul.f32 $5.000000000e+00, v0  }
0x128: {  	v4 =	vadd.f32 v4, v58;
	v7 =	vcvt.f32.s32 v7;
	v3 =	vand.u32 $0xFF, v3  }
0x129: {  	v6 =	vtrunc.f32 v6;
	v12 =	vmul.f32 $5.000000000e+00, v12;
	v13 =	vadd.f32 v13, v58  }
0x12a: {  	v2 =	vtrunc.f32 v2;
	v1 =	vadd.s32 $0xF9, v1;
	v9 =	vadd.f32 v9, v15  }
0x12b: {  	v14 =	vadd.f32 $7.000000000e+00, v14;
	v60 =	vor.u32 s12, v3;
	v0 =	vadd.f32 v0, v57  }
0x12c: {  	v6 =	vcvt.f32.s32 v6;
	v11 =	vadd.f32 v11, v15;
	v9 =	vadd.f32 $-2.000000000e+00, v9  }
0x12d: {  	v8 =	vadd.f32 v8, v15;
	v10 =	vadd.f32 v10, v15;
	v5 =	vmul.f32 $5.000000000e+00, v5  }
0x12e: {  	v4 =	vadd.f32 $7.000000000e+00, v4;
	v2 =	vcvt.f32.s32 v2;
	v9 =	vadd.f32 $7.000000000e+00, v9  }
0x12f: {  	v1 =	vand.u32 $0xFF, v1;
	v12 =	vadd.f32 v12, v15;
	v13 =	vadd.f32 $1.000000000e+00, v13  }
0x130: {  	v1 =	vor.u32 s12, v1;
	v5 =	vadd.f32 v5, v58;
	v9 =	vtrunc.f32 v9  }
0x131: {  	v11 =	vadd.f32 $-1.000000000e+00, v11;
	v8 =	vadd.f32 $7.000000000e+00, v8;
	v9 =	vcvt.f32.s32 v9  }
0x132: {  	v10 =	vadd.f32 $1.000000000e+00, v10;
	v59 =	vtrunc.f32 v4;
	v61 =	vadd.f32 $2.000000000e+00, v0  }
0x133: {  	v0 =	vadd.s32 $0xF9, v7;
	v2 =	vadd.s32 $0xF9, v2;
	v9 =	vadd.s32 $0xF9, v9  }
0x134: {  	v13 =	vadd.f32 $7.000000000e+00, v13;
	v11 =	vadd.f32 $7.000000000e+00, v11;
	v9 =	vand.u32 $0xFF, v9  }
0x135: {  	v63 =	vadd.f32 $2.000000000e+00, v12;
	v12 =	vtrunc.f32 v14;
	v62 =	vor.u32 s12, v9  }
0x136: {  	v14 =	vand.u32 $0xFF, v2;
	v8 =	vtrunc.f32 v8;
	v11 =	vtrunc.f32 v11  }
0x137: {  	v15 =	vadd.f32 $7.000000000e+00, v10;
	v3 =	vadd.f32 $2.000000000e+00, v5;
	v11 =	vcvt.f32.s32 v11  }
0x138: {  	v10 =	vand.u32 $0xFF, v0;
	v7 =	vadd.f32 $7.000000000e+00, v61;
	v4 =	vcvt.f32.s32 v8  }
0x139: {  	s14 =	sadd.s32 $0x1080, s23;
	s13 =	sadd.s32 $0x1080, s25;
	v0 =	vld.idx.msk [tilespmem:v60+s1+$0x0], $0xffff;
	v8 =	vadd.f32 $7.000000000e+00, v63;
	v13 =	vtrunc.f32 v13;
	v5 =	vadd.s32 $0xF9, v11  }
0x13a: {  	s16 =	simm.s32 $0x0;
	s15 =	sadd.s32 $0x1080, s21;
	[tilespmem:s14+$0x0] =	vst v56;
	s14 =	sadd.s32 $0x1080, s18;
	v11 =	vand.u32 $0xFF, v5;
	v5 =	vcvt.f32.s32 v59;
	v9 =	vtrunc.f32 v15;
	v2 =	vld.idx.msk [tilespmem:v62+s1+$0x0], $0xffff  }
.LBB2_4:
0x13b: {  	s11 =	sadd.s32 $0x40, s11  }
0x13c: {  	s17 =	sand.u32 $0xC0, s11  }
0x13d: {  	s16 =	sadd.s32 $0x4, s16;
	v13 =	vcvt.f32.s32 v13;
	v8 =	vtrunc.f32 v8;
	s28 =	scvt.s32.f32 s17  }
0x13e: {  	v15 =	vld.idx.msk [tilespmem:v1+s1+$0x0], $0xffff;
	v1 =	vor.u32 s12, v14;
	s21 =	sshrl.u32 s16, $0x4;
	s20 =	sor.u32 $0x20, s17;
	v14 =	vcvt.f32.s32 v8  }
0x13f: {  	s18 =	smul.u32 $0x440, s21;
	v8 =	vadd.s32 $0xF9, v13;
	s29 =	scvt.s32.f32 s20;
	v13 =	vadd.f32 $0.0e+00, v0;
	v0 =	vadd.f32 s28, v43  }
0x140: {  	_ = 	snop  }
0x141: {  	s18 =	sshra.s32 s18, $0x2;
	[tilespmem:$0x1FE20] =	vst v0;
	v0 =	vadd.f32 s29, v43  }
0x142: {  	s19 =	sor.u32 $0x30, s17;
	s23 =	sadd.s32 $0x808, s18  }
0x143: {  	s25 =	sadd.s32 s19, s23;
	[tilespmem:$0x1FE40] =	vst v0;
	v0 =	vadd.f32 $0.0e+00, v15  }
0x144: {  	v26 =	vld [tilespmem:s25+$0x2]  }
0x145: {  	[tilespmem:$0x1FDC0] =	vst v0;
	v0 =	vld [tilespmem:$0x1FFD0];
	_ =	sdelay $0x4  }
0x146: {  	v32 =	vmul.f32 v0, v26;
	v0 =	vld [tilespmem:$0x1FFA0];
	_ =	sdelay $0x3  }
0x147: {  	v27 =	vld [tilespmem:s25+$0x1]  }
0x148: {  	v33 =	vmul.f32 v0, v26;
	v0 =	vld [tilespmem:$0x1FFC0];
	_ =	sdelay $0x3  }
0x149: {  	v28 =	vld [tilespmem:s25+$0x0]  }
0x14a: {  	v34 =	vmul.f32 v0, v27;
	v0 =	vld [tilespmem:$0x1FF30]  }
0x14b: {  	v56 =	vld [tilespmem:$0x1FEC0]  }
0x14c: {  	v50 =	vld [tilespmem:$0x1FEE0]  }
0x14d: {  	v52 =	vld [tilespmem:$0x1FE50]  }
0x14e: {  	v53 =	vld [tilespmem:$0x1FE60]  }
0x14f: {  	v35 =	vmul.f32 v0, v28;
	v0 =	vld [tilespmem:$0x1FF90]  }
0x150: {  	v54 =	vld [tilespmem:$0x1FE70]  }
0x151: {  	v57 =	vld [tilespmem:$0x1FE80]  }
0x152: {  	v11 =	vor.u32 s12, v11;
	v58 =	vld [tilespmem:$0x1FE90]  }
0x153: {  	v29 =	vld [tilespmem:s25+$0xFFFFFFFE]  }
0x154: {  	v12 =	vcvt.f32.s32 v12;
	v36 =	vmul.f32 v0, v28;
	v0 =	vld [tilespmem:$0x1FF50]  }
0x155: {  	v10 =	vor.u32 s12, v10;
	v55 =	vld [tilespmem:$0x1FEA0]  }
0x156: {  	v12 =	vadd.s32 $0xF9, v12;
	v16 =	vand.u32 $0xFF, v8;
	v8 =	vld [tilespmem:$0x1FEF0]  }
0x157: {  	v12 =	vand.u32 $0xFF, v12;
	v11 =	vld.idx.msk [tilespmem:v11+s1+$0x0], $0xffff  }
0x158: {  	v3 =	vadd.f32 $7.000000000e+00, v3;
	v9 =	vcvt.f32.s32 v9;
	v30 =	vor.u32 s12, v12;
	v12 =	vld [tilespmem:s25+$0xFFFFFFFF]  }
0x159: {  	v6 =	vadd.s32 $0xF9, v6;
	v7 =	vtrunc.f32 v7;
	v37 =	vmul.f32 v0, v29;
	v0 =	vld [tilespmem:$0x1FF60]  }
0x15a: {  	v4 =	vadd.s32 $0xF9, v4;
	v5 =	vadd.s32 $0xF9, v5;
	s31 =	sor.u32 $0x10, s17;
	v7 =	vcvt.f32.s32 v7;
	v10 =	vld.idx.msk [tilespmem:v10+s1+$0x0], $0xffff  }
0x15b: {  	v59 =	vld [tilespmem:$0x1FEB0];
	v4 =	vand.u32 $0xFF, v4;
	v5 =	vand.u32 $0xFF, v5;
	v3 =	vtrunc.f32 v3;
	s26 =	scvt.s32.f32 s31  }
0x15c: {  	v60 =	vld [tilespmem:$0x1FED0];
	v3 =	vcvt.f32.s32 v3;
	v2 =	vadd.f32 $0.0e+00, v2;
	v7 =	vadd.s32 $0xF9, v7  }
0x15d: {  	v61 =	vld [tilespmem:$0x1FF20];
	v46 =	vor.u32 s12, v5;
	v5 =	vadd.f32 s26, v43;
	v7 =	vand.u32 $0xFF, v7  }
0x15e: {  	v63 =	vld [tilespmem:$0x1FF70];
	v3 =	vadd.s32 $0xF9, v3;
	v38 =	vmul.f32 v0, v12;
	v0 =	vadd.f32 v11, v2  }
0x15f: {  	[tilespmem:$0x1FE30] =	vst v5;
	v5 =	vld [tilespmem:$0x1FF00];
	v39 =	vadd.f32 v10, v13;
	v10 =	vmul.f32 v50, v29;
	v42 =	vmul.f32 v8, v12  }
0x160: {  	s22 =	sadd.s32 s17, s23;
	v3 =	vand.u32 $0xFF, v3;
	v2 =	vmul.f32 v52, v29;
	v11 =	vmul.f32 v53, v12;
	[tilespmem:$0x1FDD0] =	vst v0;
	v0 =	vld [tilespmem:$0x1FF10]  }
0x161: {  	v41 =	vor.u32 s12, v7;
	v24 =	vld [tilespmem:s22+$0xFFFFFFFE];
	v7 =	vmul.f32 v54, v28;
	v13 =	vmul.f32 v58, v12  }
0x162: {  	v42 =	vadd.f32 v42, v10;
	v10 =	vld [tilespmem:$0x1FF40];
	v2 =	vadd.f32 v11, v2;
	v11 =	vmul.f32 v57, v29  }
0x163: {  	s24 =	sadd.s32 s31, s23;
	v25 =	vld [tilespmem:s22+$0xFFFFFFFF];
	v45 =	vor.u32 s12, v3;
	v40 =	vmul.f32 v56, v26;
	v44 =	vmul.f32 v55, v27  }
0x164: {  	v21 =	vld [tilespmem:s24+$0xFFFFFFFE];
	v2 =	vadd.f32 v7, v2;
	v3 =	vadd.f32 v13, v11;
	v7 =	vmul.f32 v59, v28  }
0x165: {  	v4 =	vor.u32 s12, v4;
	s23 =	sadd.s32 s20, s23;
	v22 =	vld [tilespmem:s24+$0xFFFFFFFF];
	v29 =	vmul.f32 v5, v29;
	v12 =	vmul.f32 v0, v12  }
0x166: {  	v20 =	vld [tilespmem:s23+$0xFFFFFFFE];
	v2 =	vadd.f32 v44, v2;
	v3 =	vadd.f32 v7, v3;
	v7 =	vmul.f32 v60, v27  }
0x167: {  	v23 =	vld [tilespmem:s23+$0xFFFFFFFF];
	v37 =	vadd.f32 v38, v37;
	v28 =	vmul.f32 v10, v28;
	v29 =	vadd.f32 v12, v29  }
0x168: {  	v11 =	vld [tilespmem:$0x1FF80];
	v2 =	vadd.f32 v40, v2;
	v3 =	vadd.f32 v7, v3;
	v7 =	vmul.f32 v61, v26  }
0x169: {  	v6 =	vand.u32 $0xFF, v6;
	v36 =	vadd.f32 v36, v37;
	v28 =	vadd.f32 v28, v29;
	v29 =	vld.idx.msk [tilespmem:v1+s1+$0x0], $0xffff  }
0x16a: {  	v9 =	vadd.s32 $0xF9, v9;
	v1 =	vadd.f32 v2, v51;
	v2 =	vadd.f32 v7, v3;
	v7 =	vld [tilespmem:$0x1FFB0]  }
0x16b: {  	v6 =	vor.u32 s12, v6;
	v9 =	vand.u32 $0xFF, v9;
	v14 =	vadd.s32 $0xF9, v14;
	v19 =	vld [tilespmem:s22+$0x0]  }
0x16c: {  	v9 =	vor.u32 s12, v9;
	v14 =	vand.u32 $0xFF, v14;
	v44 =	vadd.f32 v34, v36;
	v34 =	vld.idx.msk [tilespmem:v4+s1+$0x0], $0xffff  }
0x16d: {  	v47 =	vmovc v43;
	v43 =	vor.u32 s12, v14;
	v35 =	vadd.f32 v35, v42;
	v4 =	vld.idx.msk [tilespmem:v46+s1+$0x0], $0xffff;
	v3 =	vmul.f32 v11, v27  }
0x16e: {  	v18 =	vld [tilespmem:s24+$0x0];
	v42 =	vmul.f32 v63, v27;
	v1 =	vmin.f32 v1, $2.000000000e+01;
	v2 =	vadd.f32 v2, v48  }
0x16f: {  	v15 =	vld [tilespmem:s22+$0x1];
	v3 =	vadd.f32 v3, v28;
	v1 =	vadd.f32 v1, v1;
	v7 =	vmul.f32 v7, v26  }
0x170: {  	v31 =	vor.u32 s12, v16;
	v27 =	vld.idx.msk [tilespmem:v6+s1+$0x0], $0xffff;
	v6 =	vadd.f32 v42, v35  }
0x171: {  	v2 =	vmin.f32 v2, $2.000000000e+01;
	v1 =	vmul.f32 $1.442695020e+00, v1;
	v3 =	vadd.f32 v7, v3;
	v7 =	vld.idx.msk [tilespmem:v9+s1+$0x0], $0xffff  }
0x172: {  	v38 =	vmul.f32 v53, v25;
	[tilespmem:$0x1FDE0] =	vst v4;
	v4 =	vadd.f32 v33, v6;
	v9 =	vadd.f32 v2, v2;
	v2 =	vld [tilespmem:$0x1FFE0]  }
0x173: {  	v36 =	vmul.f32 v52, v24;
	(erf) = vpow2.f32 v1;
	v1 =	vld.idx.msk [tilespmem:v43+s1+$0x0], $0xffff  }
0x174: {  	v16 =	vld [tilespmem:s23+$0x0];
	v46 =	vmul.f32 v54, v18;
	v42 =	vmul.f32 v52, v21;
	v37 =	vadd.f32 v4, v49  }
0x175: {  	v28 =	vadd.f32 v38, v36;
	v36 =	vmul.f32 v60, v15;
	v4 =	vld.idx.msk [tilespmem:v31+s1+$0x0], $0xffff;
	v31 =	vmul.f32 v59, v19  }
0x176: {  	v6 =	vld.idx.msk [tilespmem:v30+s1+$0x0], $0xffff;
	v26 =	vadd.f32 v32, v44;
	v44 =	vmul.f32 v53, v23;
	v30 =	vmin.f32 v37, $2.000000000e+01  }
0x177: {  	v37 =	vmul.f32 v55, v15;
	v30 =	vadd.f32 v30, v30;
	v40 =	vadd.f32 v3, v2;
	v3 =	vld [tilespmem:$0x1FFF0]  }
0x178: {  	v43 =	vmul.f32 v52, v20;
	v9 =	vmul.f32 $1.442695020e+00, v9;
	[tilespmem:$0x1FE00] =	vst v1;
	v1 =	vld.idx.msk [tilespmem:v45+s1+$0x0], $0xffff  }
0x179: {  	v52 =	vmul.f32 v57, v21;
	v30 =	vmul.f32 $1.442695020e+00, v30  }
0x17a: {  	(erf) = vpow2.f32 v9;
	v9 =	vmul.f32 v53, v22  }
0x17b: {  	v17 =	vld [tilespmem:s24+$0x2];
	v53 =	vmul.f32 v58, v22;
	(erf) = vpow2.f32 v30;
	v32 =	vmin.f32 v40, $2.000000000e+01  }
0x17c: {  	v45 =	vmul.f32 v54, v19;
	v30 =	vadd.f32 v44, v43;
	v32 =	vadd.f32 v32, v32  }
0x17d: {  	v33 =	vadd.f32 v9, v42;
	v42 =	vmul.f32 v54, v16;
	v26 =	vadd.f32 v26, v3;
	[tilespmem:$0x1FE10] =	vst v1;
	v1 =	vld [tilespmem:$0x1FDC0]  }
0x17e: {  	s28 =	scvt.s32.f32 s19;
	v44 =	vmul.f32 v57, v20;
	v28 =	vadd.f32 v45, v28;
	v32 =	vmul.f32 $1.442695020e+00, v32  }
0x17f: {  	v45 =	vmul.f32 v58, v23;
	v30 =	vadd.f32 v42, v30;
	v26 =	vmin.f32 v26, $2.000000000e+01  }
0x180: {  	v40 =	vmul.f32 v56, v17;
	v42 =	vadd.f32 s28, v47;
	v26 =	vadd.f32 v26, v26  }
0x181: {  	v28 =	vadd.f32 v37, v28;
	v37 =	vmul.f32 v50, v24;
	(erf) = vpow2.f32 v32  }
0x182: {  	v13 =	vld [tilespmem:s23+$0x1];
	v32 =	vpop (erf);
	v26 =	vmul.f32 $1.442695020e+00, v26;
	v9 =	vadd.f32 v29, v1;
	v1 =	vadd.f32 v27, v39  }
0x183: {  	v14 =	vld [tilespmem:s24+$0x1];
	v27 =	vmul.f32 v58, v25;
	v43 =	vadd.f32 $1.000000000e+00, v32;
	v29 =	vadd.f32 v46, v33  }
0x184: {  	v39 =	vpop (erf);
	v33 =	vadd.f32 v45, v44;
	v58 =	vmul.f32 v59, v16;
	v32 =	vadd.f32 $-1.000000000e+00, v32  }
0x185: {  	v62 =	vld [tilespmem:s22+$0x2];
	v44 =	vmul.f32 v8, v22;
	v46 =	vadd.f32 $1.000000000e+00, v39;
	v35 =	vpop (erf);
	(erf) = vpow2.f32 v26  }
0x186: {  	v41 =	vld.idx.msk [tilespmem:v41+s1+$0x0], $0xffff;
	v26 =	vmul.f32 v57, v24;
	v54 =	vadd.f32 $1.000000000e+00, v35;
	v33 =	vadd.f32 v58, v33  }
0x187: {  	v57 =	vmul.f32 v55, v13;
	v35 =	vadd.f32 $-1.000000000e+00, v35;
	v6 =	vadd.f32 v6, v1  }
0x188: {  	(erf) = vrcp.f32 v43;
	v43 =	vmul.f32 v60, v14;
	v26 =	vadd.f32 v27, v26  }
0x189: {  	v27 =	vadd.f32 v53, v52;
	(erf) = vrcp.f32 v46;
	v52 =	vmul.f32 v55, v14  }
0x18a: {  	v12 =	vld [tilespmem:s23+$0x2];
	v53 =	vmul.f32 v59, v18;
	v30 =	vadd.f32 v57, v30;
	v55 =	vadd.f32 $-1.000000000e+00, v39  }
0x18b: {  	[tilespmem:$0x1FDF0] =	vst v41;
	v41 =	vpop (erf);
	v29 =	vadd.f32 v52, v29;
	v31 =	vadd.f32 v31, v26;
	v52 =	vmul.f32 v56, v62  }
0x18c: {  	v39 =	vmul.f32 v0, v25;
	v27 =	vadd.f32 v53, v27;
	v59 =	vadd.f32 $1.000000000e+00, v41  }
0x18d: {  	v26 =	vadd.f32 v52, v28;
	v28 =	vmul.f32 v5, v24;
	v29 =	vadd.f32 v40, v29  }
0x18e: {  	v31 =	vadd.f32 v36, v31;
	v36 =	vmul.f32 v61, v62;
	v27 =	vadd.f32 v43, v27  }
0x18f: {  	v41 =	vadd.f32 $-1.000000000e+00, v41;
	v52 =	vmovc v47;
	v47 =	vmul.f32 v56, v12;
	v56 =	vmovc v2;
	v28 =	vadd.f32 v39, v28  }
0x190: {  	v39 =	vmul.f32 v10, v19;
	v2 =	vld [tilespmem:$0x1FF50];
	v31 =	vadd.f32 v36, v31;
	v45 =	vpop (erf);
	(erf) = vrcp.f32 v54  }
0x191: {  	v54 =	vld [tilespmem:$0x1FDD0];
	v46 =	vadd.f32 $1.000000000e+00, v45;
	(erf) = vrcp.f32 v59;
	v53 =	vpop (erf);
	v30 =	vadd.f32 v47, v30  }
0x192: {  	v47 =	vmul.f32 v10, v18;
	v28 =	vadd.f32 v39, v28;
	v32 =	vmul.f32 v53, v32  }
0x193: {  	v57 =	vpop (erf);
	v53 =	vmov v51;
	v51 =	vmul.f32 v5, v20;
	(erf) = vrcp.f32 v46  }
0x194: {  	v38 =	vmul.f32 v57, v55;
	v46 =	vmul.f32 v50, v21;
	v26 =	vadd.f32 v26, v53  }
0x195: {  	v29 =	vadd.f32 v29, v53;
	v30 =	vadd.f32 v30, v53;
	v32 =	vmul.f32 $5.000000000e+00, v32  }
0x196: {  	v24 =	vmul.f32 v2, v24;
	v58 =	vadd.f32 v34, v54;
	v38 =	vmul.f32 $5.000000000e+00, v38  }
0x197: {  	v34 =	vmul.f32 v8, v25;
	v54 =	vadd.f32 $-1.000000000e+00, v45;
	v32 =	vadd.f32 v32, v42  }
0x198: {  	v45 =	vmul.f32 v5, v21;
	v43 =	vadd.f32 v44, v46;
	v38 =	vadd.f32 v38, v42  }
0x199: {  	v21 =	vmul.f32 v2, v21;
	v30 =	vmin.f32 v30, $2.000000000e+01;
	v32 =	vadd.f32 $-2.000000000e+00, v32;
	v59 =	vpop (erf)  }
0x19a: {  	v30 =	vadd.f32 v30, v30;
	v38 =	vadd.f32 $-1.000000000e+00, v38;
	v35 =	vmul.f32 v59, v35;
	v55 =	vpop (erf)  }
0x19b: {  	v32 =	vadd.f32 $7.000000000e+00, v32;
	v41 =	vmul.f32 v55, v41;
	v55 =	vmovc v49;
	v49 =	vmul.f32 v50, v20  }
0x19c: {  	v29 =	vmin.f32 v29, $2.000000000e+01;
	v20 =	vmul.f32 v2, v20;
	v50 =	vmul.f32 $1.442695020e+00, v30  }
0x19d: {  	v38 =	vadd.f32 $7.000000000e+00, v38;
	v57 =	vpop (erf);
	v35 =	vmul.f32 $5.000000000e+00, v35;
	v32 =	vtrunc.f32 v32  }
0x19e: {  	v29 =	vadd.f32 v29, v29;
	v59 =	vmul.f32 v57, v54;
	v41 =	vmul.f32 $5.000000000e+00, v41  }
0x19f: {  	v34 =	vadd.f32 v34, v37;
	v32 =	vcvt.f32.s32 v32;
	v38 =	vtrunc.f32 v38  }
0x1a0: {  	v7 =	vadd.f32 v7, v58;
	v54 =	vmovc v48;
	v48 =	vmul.f32 v60, v13;
	v60 =	vmul.f32 v8, v23  }
0x1a1: {  	v35 =	vadd.f32 v35, v42;
	v38 =	vcvt.f32.s32 v38;
	v31 =	vadd.f32 v31, v54  }
0x1a2: {  	v40 =	vmul.f32 $5.000000000e+00, v59;
	v41 =	vadd.f32 v41, v42;
	v32 =	vadd.s32 $0xF9, v32  }
0x1a3: {  	v57 =	vmovc v3;
	v3 =	vld [tilespmem:$0x1FF60];
	v59 =	vmul.f32 v0, v23;
	v33 =	vadd.f32 v48, v33;
	v44 =	vadd.f32 v60, v49  }
0x1a4: {  	v49 =	vmul.f32 $1.442695020e+00, v29;
	v35 =	vadd.f32 $7.000000000e+00, v35;
	v32 =	vand.u32 $0xFF, v32  }
0x1a5: {  	s12 =	sshll.u32 s21, $0x8;
	v38 =	vadd.s32 $0xF9, v38;
	v40 =	vadd.f32 v40, v42;
	v41 =	vadd.f32 $1.000000000e+00, v41  }
0x1a6: {  	v32 =	vor.u32 s12, v32;
	v38 =	vand.u32 $0xFF, v38;
	v42 =	vmul.f32 v0, v22;
	v0 =	vld [tilespmem:$0x1FF30]  }
0x1a7: {  	v46 =	vadd.f32 v59, v51;
	v59 =	vmul.f32 v10, v16;
	v51 =	vmovc v53;
	v53 =	vmul.f32 v11, v13  }
0x1a8: {  	v35 =	vtrunc.f32 v35;
	v38 =	vor.u32 s12, v38;
	v25 =	vmul.f32 v3, v25  }
0x1a9: {  	v22 =	vmul.f32 v3, v22;
	v40 =	vadd.f32 $2.000000000e+00, v40;
	v41 =	vadd.f32 $7.000000000e+00, v41  }
0x1aa: {  	v2 =	vld [tilespmem:$0x1FFA0];
	v23 =	vmul.f32 v3, v23;
	v35 =	vcvt.f32.s32 v35;
	v42 =	vadd.f32 v42, v45  }
0x1ab: {  	v41 =	vtrunc.f32 v41;
	v40 =	vadd.f32 $7.000000000e+00, v40;
	v37 =	vmul.f32 v0, v19  }
0x1ac: {  	v35 =	vadd.s32 $0xF9, v35;
	v45 =	vmul.f32 v0, v18;
	v48 =	vmul.f32 v0, v16;
	v0 =	vld [tilespmem:$0x1FF90]  }
0x1ad: {  	v41 =	vcvt.f32.s32 v41;
	v35 =	vand.u32 $0xFF, v35;
	v40 =	vtrunc.f32 v40  }
0x1ae: {  	v3 =	vld [tilespmem:$0x1FFB0];
	v46 =	vadd.f32 v59, v46;
	v35 =	vor.u32 s12, v35;
	v40 =	vcvt.f32.s32 v40  }
0x1af: {  	v39 =	vmul.f32 v2, v12;
	v24 =	vadd.f32 v25, v24;
	v32 =	vld.idx.msk [tilespmem:v32+s1+$0x0], $0xffff;
	v41 =	vadd.s32 $0xF9, v41  }
0x1b0: {  	v25 =	vadd.f32 v53, v46;
	v41 =	vand.u32 $0xFF, v41;
	v40 =	vadd.s32 $0xF9, v40  }
0x1b1: {  	v38 =	vld.idx.msk [tilespmem:v38+s1+$0x0], $0xffff;
	v41 =	vor.u32 s12, v41;
	v40 =	vand.u32 $0xFF, v40;
	v19 =	vmul.f32 v0, v19  }
0x1b2: {  	v18 =	vmul.f32 v0, v18;
	v16 =	vmul.f32 v0, v16;
	v0 =	vld [tilespmem:$0x1FFC0];
	v40 =	vor.u32 s12, v40  }
0x1b3: {  	v34 =	vadd.f32 v37, v34;
	v37 =	vadd.f32 v47, v42;
	v42 =	vmul.f32 v3, v12;
	v35 =	vld.idx.msk [tilespmem:v35+s1+$0x0], $0xffff  }
0x1b4: {  	v59 =	vmul.f32 v2, v62;
	v21 =	vadd.f32 v22, v21;
	v32 =	vadd.f32 $0.0e+00, v32  }
0x1b5: {  	v20 =	vadd.f32 v23, v20;
	v47 =	vmul.f32 v63, v13;
	v46 =	vadd.f32 v42, v25  }
0x1b6: {  	v32 =	vadd.f32 v38, v32;
	v19 =	vadd.f32 v19, v24;
	v38 =	vmul.f32 v3, v17;
	v41 =	vld.idx.msk [tilespmem:v41+s1+$0x0], $0xffff  }
0x1b7: {  	v16 =	vadd.f32 v16, v20;
	v13 =	vmul.f32 v0, v13;
	v60 =	vld.idx.msk [tilespmem:v40+s1+$0x0], $0xffff;
	v40 =	vmul.f32 v61, v17  }
0x1b8: {  	v18 =	vadd.f32 v18, v21;
	v32 =	vadd.f32 v35, v32;
	v61 =	vmul.f32 v61, v12  }
0x1b9: {  	v35 =	vmul.f32 v63, v14;
	v13 =	vadd.f32 v13, v16;
	v27 =	vadd.f32 v40, v27  }
0x1ba: {  	v33 =	vadd.f32 v61, v33;
	v61 =	vmul.f32 v11, v14;
	v14 =	vmul.f32 v0, v14  }
0x1bb: {  	v32 =	vadd.f32 v41, v32;
	v41 =	vmul.f32 v63, v15;
	v27 =	vadd.f32 v27, v54  }
0x1bc: {  	v63 =	vmul.f32 v2, v17;
	v33 =	vadd.f32 v33, v54;
	v61 =	vadd.f32 v61, v37  }
0x1bd: {  	s29 =	sadd.s32 $0x1080, s12;
	v14 =	vadd.f32 v14, v18;
	v32 =	vadd.f32 v60, v32;
	v60 =	vmul.f32 v11, v15  }
0x1be: {  	s19 =	sadd.s32 s19, s29;
	v34 =	vadd.f32 v41, v34;
	v15 =	vmul.f32 v0, v15;
	v24 =	vadd.f32 v38, v61  }
0x1bf: {  	v33 =	vmin.f32 v33, $2.000000000e+01;
	[tilespmem:s19+$0x0] =	vst v32;
	v32 =	vadd.f32 v45, v43;
	v45 =	vadd.f32 v48, v44  }
0x1c0: {  	v43 =	vmovc v52;
	v52 =	vmin.f32 v26, $2.000000000e+01;
	v28 =	vadd.f32 v60, v28;
	v15 =	vadd.f32 v15, v19  }
0x1c1: {  	v27 =	vmin.f32 v27, $2.000000000e+01;
	v53 =	vadd.f32 v33, v33;
	v41 =	vadd.f32 v52, v52  }
0x1c2: {  	v0 =	vld [tilespmem:$0x1FFD0];
	v60 =	vmul.f32 v3, v62;
	v19 =	vadd.f32 v46, v56;
	v52 =	vadd.f32 v27, v27  }
0x1c3: {  	v24 =	vadd.f32 v24, v56;
	v32 =	vadd.f32 v35, v32;
	v20 =	vmul.f32 $1.442695020e+00, v41  }
0x1c4: {  	v44 =	vmin.f32 v31, $2.000000000e+01;
	v22 =	vadd.f32 v47, v45;
	v45 =	vadd.f32 v59, v34  }
0x1c5: {  	v28 =	vadd.f32 v60, v28;
	v47 =	vadd.f32 v44, v44;
	(erf) = vpow2.f32 v20  }
0x1c6: {  	v61 =	vmul.f32 $1.442695020e+00, v53;
	v19 =	vmin.f32 v19, $2.000000000e+01;
	(erf) = vpow2.f32 v49  }
0x1c7: {  	v10 =	vmul.f32 v0, v62;
	v11 =	vmul.f32 v0, v17;
	v19 =	vadd.f32 v19, v19  }
0x1c8: {  	v12 =	vmul.f32 v0, v12;
	v32 =	vadd.f32 v63, v32;
	v21 =	vadd.f32 v39, v22  }
0x1c9: {  	v48 =	vmovc v54;
	v62 =	vmin.f32 v24, $2.000000000e+01;
	v0 =	vld [tilespmem:$0x1FDE0];
	v54 =	vadd.f32 v45, v55;
	v59 =	vadd.f32 v28, v56  }
0x1ca: {  	v16 =	vmul.f32 $1.442695020e+00, v47;
	v28 =	vadd.f32 v62, v62;
	v10 =	vadd.f32 v10, v15  }
0x1cb: {  	v11 =	vadd.f32 v11, v14;
	v12 =	vadd.f32 v12, v13;
	(erf) = vpow2.f32 v50  }
0x1cc: {  	v15 =	vmul.f32 $1.442695020e+00, v52;
	v60 =	vadd.f32 v32, v55;
	v21 =	vadd.f32 v21, v55  }
0x1cd: {  	v14 =	vmin.f32 v54, $2.000000000e+01;
	v13 =	vmin.f32 v59, $2.000000000e+01;
	(erf) = vpow2.f32 v16  }
0x1ce: {  	v10 =	vadd.f32 v10, v57;
	v5 =	vadd.f32 v0, v9;
	v0 =	vld [tilespmem:$0x1FDF0];
	v63 =	vpop (erf);
	(erf) = vpow2.f32 v15  }
0x1cf: {  	v11 =	vadd.f32 v11, v57;
	v12 =	vadd.f32 v12, v57;
	v29 =	vpop (erf);
	(erf) = vpow2.f32 v61  }
0x1d0: {  	v19 =	vmul.f32 $1.442695020e+00, v19;
	v14 =	vadd.f32 v14, v14;
	v13 =	vadd.f32 v13, v13  }
0x1d1: {  	v18 =	vmin.f32 v60, $2.000000000e+01;
	v21 =	vmin.f32 v21, $2.000000000e+01;
	v10 =	vmin.f32 v10, $2.000000000e+01  }
0x1d2: {  	v30 =	vadd.f32 v21, v21;
	v14 =	vmul.f32 $1.442695020e+00, v14;
	v15 =	vadd.f32 v18, v18  }
0x1d3: {  	v11 =	vmin.f32 v11, $2.000000000e+01;
	v13 =	vmul.f32 $1.442695020e+00, v13;
	v2 =	vadd.f32 v0, v6;
	v0 =	vld [tilespmem:$0x1FE00]  }
0x1d4: {  	v12 =	vmin.f32 v12, $2.000000000e+01;
	v31 =	vpop (erf);
	v15 =	vmul.f32 $1.442695020e+00, v15;
	(erf) = vpow2.f32 v14  }
0x1d5: {  	v10 =	vadd.f32 v10, v10;
	v18 =	vmul.f32 $1.442695020e+00, v28;
	(erf) = vpow2.f32 v13  }
0x1d6: {  	v11 =	vadd.f32 v11, v11;
	v20 =	vmul.f32 $1.442695020e+00, v30;
	v32 =	vpop (erf);
	(erf) = vpow2.f32 v15  }
0x1d7: {  	v12 =	vadd.f32 v12, v12;
	v10 =	vmul.f32 $1.442695020e+00, v10;
	v33 =	vpop (erf);
	(erf) = vpow2.f32 v18  }
0x1d8: {  	v11 =	vmul.f32 $1.442695020e+00, v11;
	v3 =	vadd.f32 v0, v7;
	v0 =	vld [tilespmem:$0x1FE10];
	v36 =	vpop (erf);
	(erf) = vpow2.f32 v20  }
0x1d9: {  	v4 =	vadd.f32 v4, v5;
	v12 =	vmul.f32 $1.442695020e+00, v12;
	(erf) = vpow2.f32 v19  }
0x1da: {  	v16 =	vadd.f32 $-1.000000000e+00, v63;
	v14 =	vadd.f32 $1.000000000e+00, v63;
	(erf) = vpow2.f32 v10  }
0x1db: {  	v38 =	vadd.f32 $-1.000000000e+00, v29;
	v13 =	vadd.f32 $1.000000000e+00, v29;
	(erf) = vpow2.f32 v11  }
0x1dc: {  	v49 =	vmovc v55;
	v21 =	vadd.f32 $-1.000000000e+00, v31;
	v15 =	vadd.f32 $1.000000000e+00, v31;
	(erf) = vpow2.f32 v12  }
0x1dd: {  	v34 =	vadd.f32 $1.000000000e+00, v32;
	v1 =	vadd.f32 v0, v4;
	v9 =	vpop (erf);
	(erf) = vrcp.f32 v14  }
0x1de: {  	v35 =	vadd.f32 $1.000000000e+00, v33;
	v37 =	vadd.f32 $1.000000000e+00, v36;
	v12 =	vpop (erf);
	(erf) = vrcp.f32 v13  }
0x1df: {  	v8 =	vadd.f32 $-1.000000000e+00, v9;
	v9 =	vadd.f32 $1.000000000e+00, v9;
	v14 =	vpop (erf);
	(erf) = vrcp.f32 v15  }
0x1e0: {  	v13 =	vadd.f32 $-1.000000000e+00, v12;
	v12 =	vadd.f32 $1.000000000e+00, v12;
	(erf) = vrcp.f32 v34;
	v40 =	vpop (erf)  }
0x1e1: {  	v15 =	vadd.f32 $-1.000000000e+00, v14;
	v14 =	vadd.f32 $1.000000000e+00, v14;
	(erf) = vrcp.f32 v35;
	v42 =	vpop (erf)  }
0x1e2: {  	v39 =	vadd.f32 $-1.000000000e+00, v33;
	v10 =	vadd.f32 $-1.000000000e+00, v32;
	(erf) = vrcp.f32 v37;
	v45 =	vpop (erf)  }
0x1e3: {  	v11 =	vadd.f32 $-1.000000000e+00, v36;
	v41 =	vadd.f32 $-1.000000000e+00, v40;
	(erf) = vrcp.f32 v9;
	v9 =	vpop (erf)  }
0x1e4: {  	v17 =	vadd.f32 $1.000000000e+00, v40;
	v44 =	vadd.f32 $-1.000000000e+00, v42;
	(erf) = vrcp.f32 v12;
	v12 =	vpop (erf)  }
0x1e5: {  	v23 =	vadd.f32 $1.000000000e+00, v42;
	v20 =	vadd.f32 $1.000000000e+00, v45;
	(erf) = vrcp.f32 v14;
	v14 =	vpop (erf)  }
0x1e6: {  	v47 =	vadd.f32 $-1.000000000e+00, v9;
	v9 =	vadd.f32 $1.000000000e+00, v9;
	v53 =	vpop (erf);
	(erf) = vrcp.f32 v17  }
0x1e7: {  	v0 =	vld [tilespmem:$0x1FE20];
	v50 =	vadd.f32 $-1.000000000e+00, v12;
	v16 =	vmul.f32 v53, v16;
	v54 =	vpop (erf);
	(erf) = vrcp.f32 v23  }
0x1e8: {  	v57 =	vld [tilespmem:$0x1FE30];
	v12 =	vadd.f32 $1.000000000e+00, v12;
	v5 =	vmul.f32 v54, v38;
	v55 =	vpop (erf);
	(erf) = vrcp.f32 v20  }
0x1e9: {  	v58 =	vld [tilespmem:$0x1FE40];
	v52 =	vadd.f32 $-1.000000000e+00, v14;
	v6 =	vmul.f32 v55, v21;
	v56 =	vpop (erf);
	(erf) = vrcp.f32 v9  }
0x1ea: {  	v14 =	vadd.f32 $1.000000000e+00, v14;
	v16 =	vmul.f32 $5.000000000e+00, v16;
	v9 =	vpop (erf);
	(erf) = vrcp.f32 v12  }
0x1eb: {  	[tilespmem:s15+$0x0] =	vst v2;
	v46 =	vadd.f32 $-1.000000000e+00, v45;
	v2 =	vmul.f32 $5.000000000e+00, v5;
	v5 =	vmul.f32 v56, v10  }
0x1ec: {  	[tilespmem:s13+$0x0] =	vst v3;
	v4 =	vpop (erf);
	(erf) = vrcp.f32 v14;
	v3 =	vadd.f32 v16, v0;
	v6 =	vmul.f32 $5.000000000e+00, v6  }
0x1ed: {  	[tilespmem:s14+$0x0] =	vst v1;
	v1 =	vadd.f32 v2, v57;
	v2 =	vmul.f32 v9, v39;
	v4 =	vmul.f32 v4, v11  }
0x1ee: {  	v7 =	vpop (erf);
	v5 =	vmul.f32 $5.000000000e+00, v5;
	v3 =	vadd.f32 $-2.000000000e+00, v3;
	v6 =	vadd.f32 v6, v58  }
0x1ef: {  	v9 =	vpop (erf);
	v7 =	vmul.f32 v7, v8;
	v1 =	vadd.f32 $-2.000000000e+00, v1;
	v2 =	vmul.f32 $5.000000000e+00, v2  }
0x1f0: {  	v10 =	vpop (erf);
	v4 =	vmul.f32 $5.000000000e+00, v4;
	v5 =	vadd.f32 v5, v0;
	v9 =	vmul.f32 v9, v13  }
0x1f1: {  	v6 =	vadd.f32 $-2.000000000e+00, v6;
	v3 =	vadd.f32 $7.000000000e+00, v3;
	v10 =	vmul.f32 v10, v15  }
0x1f2: {  	v11 =	vpop (erf);
	v7 =	vmul.f32 $5.000000000e+00, v7;
	v2 =	vadd.f32 v2, v57;
	v4 =	vadd.f32 v4, v58  }
0x1f3: {  	v8 =	vpop (erf);
	v11 =	vmul.f32 v11, v41;
	v1 =	vadd.f32 $7.000000000e+00, v1;
	v5 =	vadd.f32 $-1.000000000e+00, v5  }
0x1f4: {  	v9 =	vmul.f32 $5.000000000e+00, v9;
	v8 =	vmul.f32 v8, v44;
	v6 =	vadd.f32 $7.000000000e+00, v6  }
0x1f5: {  	v12 =	vpop (erf);
	v10 =	vmul.f32 $5.000000000e+00, v10;
	v3 =	vtrunc.f32 v3;
	v7 =	vadd.f32 v7, v0  }
0x1f6: {  	v12 =	vmul.f32 v12, v46;
	v2 =	vadd.f32 $-1.000000000e+00, v2;
	v4 =	vadd.f32 $-1.000000000e+00, v4  }
0x1f7: {  	v5 =	vadd.f32 $7.000000000e+00, v5;
	v11 =	vmul.f32 $5.000000000e+00, v11;
	v1 =	vtrunc.f32 v1  }
0x1f8: {  	v13 =	vpop (erf);
	v9 =	vadd.f32 v9, v0;
	v3 =	vcvt.f32.s32 v3;
	v8 =	vmul.f32 $5.000000000e+00, v8  }
0x1f9: {  	v13 =	vmul.f32 v13, v47;
	v6 =	vtrunc.f32 v6;
	v10 =	vadd.f32 v10, v57  }
0x1fa: {  	v14 =	vpop (erf);
	v7 =	vadd.f32 $7.000000000e+00, v7;
	v1 =	vcvt.f32.s32 v1;
	v2 =	vadd.f32 $7.000000000e+00, v2  }
0x1fb: {  	v12 =	vmul.f32 $5.000000000e+00, v12;
	v14 =	vmul.f32 v14, v50;
	v4 =	vadd.f32 $7.000000000e+00, v4  }
0x1fc: {  	v15 =	vpop (erf);
	v11 =	vadd.f32 v11, v57;
	v9 =	vadd.f32 $1.000000000e+00, v9;
	v6 =	vcvt.f32.s32 v6  }
0x1fd: {  	v5 =	vtrunc.f32 v5;
	v3 =	vadd.s32 $0xF9, v3;
	v15 =	vmul.f32 v15, v52  }
0x1fe: {  	v13 =	vmul.f32 $5.000000000e+00, v13;
	v8 =	vadd.f32 v8, v58;
	v10 =	vadd.f32 $7.000000000e+00, v10  }
0x1ff: {  	v1 =	vadd.s32 $0xF9, v1;
	v5 =	vcvt.f32.s32 v5;
	v3 =	vand.u32 $0xFF, v3  }
0x200: {  	v14 =	vmul.f32 $5.000000000e+00, v14;
	v12 =	vadd.f32 v12, v58;
	v2 =	vtrunc.f32 v2  }
0x201: {  	v11 =	vadd.f32 $1.000000000e+00, v11;
	v4 =	vtrunc.f32 v4;
	v6 =	vadd.s32 $0xF9, v6  }
0x202: {  	v1 =	vand.u32 $0xFF, v1;
	v60 =	vor.u32 s12, v3;
	v15 =	vmul.f32 $5.000000000e+00, v15  }
0x203: {  	v8 =	vadd.f32 $7.000000000e+00, v8;
	v0 =	vadd.f32 v13, v0;
	v2 =	vcvt.f32.s32 v2  }
0x204: {  	v6 =	vand.u32 $0xFF, v6;
	v63 =	vor.u32 s12, v1;
	v12 =	vadd.f32 $1.000000000e+00, v12  }
0x205: {  	v13 =	vadd.f32 v14, v57;
	v59 =	vadd.f32 $7.000000000e+00, v11;
	v1 =	vor.u32 s12, v6  }
0x206: {  	v14 =	vadd.f32 v15, v58;
	v15 =	vcvt.f32.s32 v4;
	v4 =	vtrunc.f32 v7  }
0x207: {  	v7 =	vadd.f32 $7.000000000e+00, v9;
	v9 =	vtrunc.f32 v10;
	v8 =	vtrunc.f32 v8  }
0x208: {  	p0 =	slt.u32 s16, $0x7C;
	v61 =	vadd.f32 $2.000000000e+00, v0;
	v0 =	vadd.s32 $0xF9, v5;
	v2 =	vadd.s32 $0xF9, v2  }
.Ltmp1:
0x209: {  	v62 =	vadd.f32 $7.000000000e+00, v12;
	v13 =	vadd.f32 $2.000000000e+00, v13;
	v6 =	vcvt.f32.s32 v4;
	(pc) =	sbr.rel @p0 .LBB2_4-.Ltmp1, $4  }
0x20a: {  	v4 =	vcvt.f32.s32 v9;
	v10 =	vand.u32 $0xFF, v0;
	v11 =	vand.u32 $0xFF, v2  }
0x20b: {  	v5 =	vcvt.f32.s32 v8;
	v9 =	vtrunc.f32 v59;
	v3 =	vadd.f32 $2.000000000e+00, v14  }
0x20c: {  	s30 =	sadd.s32 s17, s29;
	s18 =	sadd.s32 s31, s29;
	s31 =	sadd.s32 s20, s29;
	v14 =	vadd.s32 $0xF9, v15;
	v0 =	vld.idx.msk [tilespmem:v60+s1+$0x0], $0xffff;
	v12 =	vtrunc.f32 v7;
	v7 =	vadd.f32 $7.000000000e+00, v61  }
0x20d: {  	s15 =	smov.u32 s30;
	s13 =	smov.u32 s18;
	s14 =	smov.u32 s31;
	v14 =	vand.u32 $0xFF, v14;
	v2 =	vld.idx.msk [tilespmem:v63+s1+$0x0], $0xffff;
	v8 =	vadd.f32 $7.000000000e+00, v13;
	v13 =	vtrunc.f32 v62  }
0x20e: {  	v10 =	vor.u32 s12, v10  }
0x20f: {  	v11 =	vor.u32 s12, v11;
	v3 =	vadd.f32 $7.000000000e+00, v3;
	v6 =	vadd.s32 $0xF9, v6  }
0x210: {  	v12 =	vcvt.f32.s32 v12;
	v14 =	vor.u32 s12, v14;
	v4 =	vadd.s32 $0xF9, v4  }
0x211: {  	v9 =	vcvt.f32.s32 v9;
	v5 =	vadd.s32 $0xF9, v5;
	v13 =	vcvt.f32.s32 v13  }
0x212: {  	v7 =	vtrunc.f32 v7;
	v6 =	vand.u32 $0xFF, v6;
	v4 =	vand.u32 $0xFF, v4  }
0x213: {  	v8 =	vtrunc.f32 v8;
	v5 =	vand.u32 $0xFF, v5;
	v7 =	vcvt.f32.s32 v7  }
0x214: {  	v6 =	vor.u32 s12, v6;
	v12 =	vadd.s32 $0xF9, v12;
	v3 =	vtrunc.f32 v3  }
0x215: {  	v1 =	vld.idx.msk [tilespmem:v1+s1+$0x0], $0xffff;
	v4 =	vor.u32 s12, v4;
	v9 =	vadd.s32 $0xF9, v9;
	v5 =	vor.u32 s12, v5  }
0x216: {  	v8 =	vcvt.f32.s32 v8;
	v13 =	vadd.s32 $0xF9, v13;
	v12 =	vand.u32 $0xFF, v12;
	v10 =	vld.idx.msk [tilespmem:v10+s1+$0x0], $0xffff  }
0x217: {  	v9 =	vand.u32 $0xFF, v9;
	v3 =	vcvt.f32.s32 v3;
	v12 =	vor.u32 s12, v12;
	v11 =	vld.idx.msk [tilespmem:v11+s1+$0x0], $0xffff  }
0x218: {  	v13 =	vand.u32 $0xFF, v13;
	v7 =	vadd.s32 $0xF9, v7;
	v9 =	vor.u32 s12, v9;
	v14 =	vld.idx.msk [tilespmem:v14+s1+$0x0], $0xffff  }
0x219: {  	v8 =	vadd.s32 $0xF9, v8;
	v13 =	vor.u32 s12, v13;
	v7 =	vand.u32 $0xFF, v7;
	v6 =	vld.idx.msk [tilespmem:v6+s1+$0x0], $0xffff  }
0x21a: {  	v3 =	vadd.s32 $0xF9, v3;
	v8 =	vand.u32 $0xFF, v8;
	v7 =	vor.u32 s12, v7;
	v4 =	vld.idx.msk [tilespmem:v4+s1+$0x0], $0xffff  }
0x21b: {  	v3 =	vand.u32 $0xFF, v3;
	v8 =	vor.u32 s12, v8;
	v5 =	vld.idx.msk [tilespmem:v5+s1+$0x0], $0xffff  }
0x21c: {  	v0 =	vadd.f32 $0.0e+00, v0;
	v3 =	vor.u32 s12, v3;
	v12 =	vld.idx.msk [tilespmem:v12+s1+$0x0], $0xffff  }
0x21d: {  	v2 =	vadd.f32 $0.0e+00, v2;
	v9 =	vld.idx.msk [tilespmem:v9+s1+$0x0], $0xffff  }
0x21e: {  	v1 =	vadd.f32 $0.0e+00, v1;
	v62 =	vld.idx.msk [tilespmem:v13+s1+$0x0], $0xffff;
	v0 =	vadd.f32 v10, v0  }
0x21f: {  	v2 =	vadd.f32 v11, v2;
	v7 =	vld.idx.msk [tilespmem:v7+s1+$0x0], $0xffff  }
0x220: {  	v1 =	vadd.f32 v14, v1;
	v8 =	vld.idx.msk [tilespmem:v8+s1+$0x0], $0xffff;
	v0 =	vadd.f32 v6, v0  }
0x221: {  	v3 =	vld.idx.msk [tilespmem:v3+s1+$0x0], $0xffff;
	v2 =	vadd.f32 v4, v2  }
0x222: {  	v1 =	vadd.f32 v5, v1;
	v0 =	vadd.f32 v12, v0  }
0x223: {  	v2 =	vadd.f32 v9, v2  }
0x224: {  	v1 =	vadd.f32 v62, v1;
	v0 =	vadd.f32 v7, v0  }
0x225: {  	v2 =	vadd.f32 v8, v2  }
0x226: {  	s10 =	sadd.s32 $0x1, s10;
	v63 =	vadd.f32 v3, v1;
	[tilespmem:s15+$0x0] =	vst v0  }
0x227: {  	p0 =	sne.s32 s10, s6;
	[tilespmem:s13+$0x0] =	vst v2  }
.Ltmp2:
0x228: {  	[tilespmem:s14+$0x0] =	vst v63;
	(pc) =	sbr.rel @p0 .LBB2_1-.Ltmp2, $4  }
0x229: {  	[hbm4b:s5+s1] =	stream.linear.scatter [tilespmem:s9], [sflag:$0x1], $0x800, $0x38;
	[tilespmem:$0x18A0] =	vst v63  }
0x22a: {  	_ =	swait.ge [sflag:s8], $0x800  }
0x22b: {  	[sflag:s8] =	ssyncset.done $0x0  }
0x22c: {  	[sflag:s8] =	ssyncadd.s32 $0xFFFFF800  }
0x22d: {  	_ =	sfence.sel $0x180000  }
0x22e: {  	[bflag:$0x0] =	sbarrier.arrive $0xFFFF  }
0x22f: {  	p0 =	sne.s32 s2, $0x0;
	_ =	strace $0x90000047  }
0x230: {  	s0 =	sadd.s32 @!p0 $0x100000, s0;
	[bflag:$0x2] =	sbarrier.arrive $0xFFFF  }
0x231: {  	[sflag:s0] =	ssyncadd.tile.s32 @!p0 $0x1;
	_ =	shalt  }
.Lfunc_end2:
_tile_overlayer_lowered:
.L_overlay_start_2:
0x232: {  	(tag) =	ssettag $0x2  }
0x233: {  	s0 =	rddreg [dreg:$0x0];
	s2 =	stileid.u32  }
0x234: {  	s1 =	rddreg [dreg:$0x1];
	p0 =	sne.s32 s2, $0x0  }
0x235: {  	s3 =	rddreg [dreg:$0x2];
	[bflag:$0x3] =	sbarrier.arrive $0xFFFF;
	s2 =	simm.s32 @!p0 $0x1C01  }
0x236: {  	[timem:s3], [sflag:s2] =	dma.local @!p0 [hbm:s0], s1  }
0x237: {  	s0 =	simm.s32 @!p0 $0x1  }
0x238: {  	_ =	swait.ge @!p0 [sflag:s0], s1  }
0x239: {  	s1 =	ssub.s32 @!p0 $0x0, s1;
	[sflag:s0] =	ssyncset.done @!p0 $0x0  }
0x23a: {  	[sflag:s0] =	ssyncadd.s32 @!p0 s1  }
0x23b: {  	[bflag:$0x3] =	sbarrier.arrive $0xFFFF  }
0x23c: {  	_ =	shalt  }

</sc_bundles>
